<compile_context>
chip_gen: v7x
topology: tpu7x:2x2x1
jax: 0.10.2.dev20260603
libtpu: 0.0.44.dev20260713+nightly
codegen_flags: <defaults>
</compile_context>

<pallas_src>
import functools

import jax
import jax.numpy as jnp
from jax import lax
from jax.experimental import pallas as pl
from jax.experimental.pallas import tpu as pltpu
from jax.experimental.pallas import tpu_sc as plsc

_HI = lax.Precision.DEFAULT

_NC = 2
_NS = 16
_NW = _NC * _NS
_LANES = 16


def _prep_body(batch_ref, posT_ref, t_ref, W_ta_ref, b_ta_ref, W_tb_ref,
               b_tb_ref, b_atom_ref, W_atom_ref, W_at_ref, b_at_ref,
               b_bond_ref, W_bond_ref, W_bt_ref, b_bt_ref,
               posc_ref, Wn_ref, We_ref):
    n = batch_ref.shape[1]
    g = t_ref.shape[0]
    ohT = (batch_ref[...] == lax.broadcasted_iota(jnp.int32, (g, n), 0)
           ).astype(jnp.float32)
    posT4 = jnp.concatenate(
        [posT_ref[...], jnp.ones((1, n), jnp.float32)], axis=0)
    sums = lax.dot_general(posT4, ohT, (((1,), (1,)), ((), ())),
                           precision=_HI, preferred_element_type=jnp.float32)
    mean = sums / jnp.maximum(sums[3:4, :], 1.0)
    poscT = posT4 - lax.dot_general(mean, ohT, (((1,), (0,)), ((), ())),
                                    precision=_HI,
                                    preferred_element_type=jnp.float32)
    posc_ref[pl.ds(0, n)] = poscT[0, :]
    posc_ref[pl.ds(n, n)] = poscT[1, :]
    posc_ref[pl.ds(2 * n, n)] = poscT[2, :]
    ta = t_ref[...] * W_ta_ref[...] + b_ta_ref[...]
    cnode = jnp.dot(ta + b_atom_ref[...], W_at_ref[...],
                    precision=_HI,
                    preferred_element_type=jnp.float32) + b_at_ref[...]
    tb = t_ref[...] * W_tb_ref[...] + b_tb_ref[...]
    cedge = jnp.dot(tb + b_bond_ref[...], W_bt_ref[...],
                    precision=_HI,
                    preferred_element_type=jnp.float32) + b_bt_ref[...]
    Wc = jnp.dot(W_atom_ref[...], W_at_ref[...], precision=_HI,
                 preferred_element_type=jnp.float32)
    We = jnp.dot(W_bond_ref[...], W_bt_ref[...], precision=_HI,
                 preferred_element_type=jnp.float32)
    Wn_ref[...] = jnp.concatenate([Wc, cnode], axis=0)
    We_ref[...] = jnp.concatenate([We, cedge], axis=0)


def _node_body(x_ref, b_ref, Wn_ref, o_ref):
    n = x_ref.shape[0]
    f = x_ref.shape[1]
    g = Wn_ref.shape[0] - f
    ohT = (b_ref[...] == lax.broadcasted_iota(jnp.int32, (g, n), 0)
           ).astype(jnp.float32)
    o_ref[...] = (
        jnp.dot(x_ref[...], Wn_ref[0:f, :], precision=_HI,
                preferred_element_type=jnp.float32)
        + lax.dot_general(ohT, Wn_ref[f:, :], (((0,), (0,)), ((), ())),
                          precision=_HI, preferred_element_type=jnp.float32))


def _edge_body(eaT_ref, b_ref, We_ref, o_ref):
    bm = eaT_ref.shape[1]
    g = We_ref.shape[0] - eaT_ref.shape[0]
    i = pl.program_id(0)
    b = b_ref[pl.ds(i * bm, bm)]
    ohT = (b[None, :] == lax.broadcasted_iota(jnp.int32, (g, bm), 0)
           ).astype(jnp.float32)
    xc = jnp.concatenate([eaT_ref[...], ohT], axis=0)
    o_ref[...] = lax.dot_general(We_ref[...], xc, (((0,), (0,)), ((), ())),
                                 precision=_HI,
                                 preferred_element_type=jnp.float32)


def _make_sc_edges(n, e, epw):
    mesh = plsc.VectorSubcoreMesh(core_axis_name="c", subcore_axis_name="s",
                                  num_cores=_NC, num_subcores=_NS)
    unroll = 1
    assert epw % (_LANES * unroll) == 0

    @functools.partial(
        pl.kernel,
        out_type=[
            jax.ShapeDtypeStruct((e,), jnp.float32),
            jax.ShapeDtypeStruct((e,), jnp.float32),
            jax.ShapeDtypeStruct((e * 3,), jnp.float32),
        ],
        mesh=mesh,
        compiler_params=pltpu.CompilerParams(needs_layout_passes=False,
                                             use_tc_tiling_on_sc=False),
        scratch_types=[
            pltpu.VMEM((3 * n,), jnp.float32),
            pltpu.VMEM((epw,), jnp.int32),
            pltpu.VMEM((epw,), jnp.int32),
            pltpu.VMEM((epw,), jnp.float32),
            pltpu.VMEM((epw,), jnp.float32),
            pltpu.VMEM((epw * 3,), jnp.float32),
        ],
    )
    def sc_edges(pos_hbm, eig_hbm, d_hbm, a_hbm, rn_hbm,
                 tab_v, src_v, tgt_v, d_v, a_v, rn_v):
        wid = lax.axis_index("s") * _NC + lax.axis_index("c")
        base = wid * epw
        pltpu.sync_copy(pos_hbm, tab_v)
        pltpu.sync_copy(eig_hbm.at[pl.ds(base, epw)], src_v)
        pltpu.sync_copy(eig_hbm.at[pl.ds(e + base, epw)], tgt_v)

        @plsc.parallel_loop(0, epw, _LANES, unroll=unroll)
        def body(ii):
            si = src_v[pl.ds(ii, _LANES)]
            ti = tgt_v[pl.ds(ii, _LANES)]
            sx = plsc.load_gather(tab_v, [si])
            sy = plsc.load_gather(tab_v, [si + n])
            sz = plsc.load_gather(tab_v, [si + 2 * n])
            tx = plsc.load_gather(tab_v, [ti])
            ty = plsc.load_gather(tab_v, [ti + n])
            tz = plsc.load_gather(tab_v, [ti + 2 * n])
            rx = tx - sx
            ry = ty - sy
            rz = tz - sz
            aa = sx * tx + sy * ty + sz * tz
            r2 = jnp.maximum(rx * rx + ry * ry + rz * rz, 1e-6)
            zi = jnp.int32(0x5F3759DF) - (plsc.bitcast(r2, jnp.int32) >> 1)
            z = plsc.bitcast(zi, jnp.float32)
            z = z * (1.5 - 0.5 * r2 * z * z)
            z = z * (1.5 - 0.5 * r2 * z * z)
            dd = r2 * z
            inv = 1.0 / (1.0 + dd)
            d_v[pl.ds(ii, _LANES)] = dd
            a_v[pl.ds(ii, _LANES)] = aa
            rn_v[pl.ds(ii, _LANES)] = rx * inv
            rn_v[pl.ds(epw + ii, _LANES)] = ry * inv
            rn_v[pl.ds(2 * epw + ii, _LANES)] = rz * inv
        pltpu.sync_copy(d_v, d_hbm.at[pl.ds(base, epw)])
        pltpu.sync_copy(a_v, a_hbm.at[pl.ds(base, epw)])
        pltpu.sync_copy(rn_v.at[pl.ds(0, epw)], rn_hbm.at[pl.ds(base, epw)])
        pltpu.sync_copy(rn_v.at[pl.ds(epw, epw)],
                        rn_hbm.at[pl.ds(e + base, epw)])
        pltpu.sync_copy(rn_v.at[pl.ds(2 * epw, epw)],
                        rn_hbm.at[pl.ds(2 * e + base, epw)])

    return sc_edges


def kernel(x, t, pos, edge_index_local, edge_index_global, edge_attr_global,
           batch, batch_edge_global,
           W_ta, b_ta, W_tb, b_tb, W_atom, b_atom, W_at, b_at,
           W_bond, b_bond, W_bt, b_bt):
    n, f = x.shape
    g = t.shape[0]
    e = edge_index_global.shape[1]
    s_dim = W_ta.shape[1]
    ed = W_tb.shape[1]
    nb = W_bond.shape[0]
    vd = 64

    batch_row = batch.reshape(1, n)

    posc, Wn, Wec = pl.pallas_call(
        _prep_body,
        out_shape=[
            jax.ShapeDtypeStruct((3 * n,), jnp.float32),
            jax.ShapeDtypeStruct((f + g, s_dim), jnp.float32),
            jax.ShapeDtypeStruct((nb + g, ed), jnp.float32),
        ],
    )(batch_row, pos.T, t, W_ta, b_ta.reshape(1, s_dim), W_tb,
      b_tb.reshape(1, ed), b_atom.reshape(1, s_dim), W_atom, W_at,
      b_at.reshape(1, s_dim), b_bond.reshape(1, ed), W_bond, W_bt,
      b_bt.reshape(1, ed))

    epw = e // _NW
    sc_edges = _make_sc_edges(n, e, epw)
    d, a, rn_flat = sc_edges(posc, edge_index_global.reshape(2 * e))
    r_norm = rn_flat.reshape(3, e).T

    sc_blk = 128
    s = pl.pallas_call(
        _node_body,
        grid=(s_dim // sc_blk,),
        in_specs=[
            pl.BlockSpec((n, f), lambda i: (0, 0)),
            pl.BlockSpec((1, n), lambda i: (0, 0)),
            pl.BlockSpec((f + g, sc_blk), lambda i: (0, i)),
        ],
        out_specs=pl.BlockSpec((n, sc_blk), lambda i: (0, i)),
        out_shape=jax.ShapeDtypeStruct((n, s_dim), jnp.float32),
    )(x, batch_row, Wn)

    be = 32000
    eaT = pl.pallas_call(
        _edge_body,
        grid=(e // be,),
        in_specs=[
            pl.BlockSpec((nb, be), lambda i: (0, i)),
            pl.BlockSpec((e,), lambda i: (0,)),
            pl.BlockSpec((nb + g, ed), lambda i: (0, 0)),
        ],
        out_specs=pl.BlockSpec((ed, be), lambda i: (0, i)),
        out_shape=jax.ShapeDtypeStruct((ed, e), jnp.float32),
    )(edge_attr_global.T, batch_edge_global, Wec)
    ea = eaT.T

    v = jnp.zeros((n, 3, vd), jnp.float32)
    return (s, v, d, a, r_norm, ea)

# --- scband reference (transcript-rebuilt; emitter-appended) ---
"""Pipeline reference for scband-denoising-edge-network-58815282151675 (READ-ONLY COPY).

The authoritative reference and input builder live on the scoring server;
editing this copy changes nothing except your own understanding.
"""

import jax, jax.numpy as jnp
import numpy as np

N = 10000
E = 320000
G = 64
F = 128
S = 256
ED = 32
NB = 5
VD = 64

def _lin(k, i, o):
    return jax.random.normal(k, (i, o), dtype=jnp.float32) * (1.0 / np.sqrt(i))

def setup_inputs(seed: int = 0) -> dict:
    key = jax.random.key(seed)
    ks = jax.random.split(key, 24)
    x = jax.random.normal(ks[0], (N, F), dtype=jnp.float32)
    t = jax.random.uniform(ks[1], (G, 1), dtype=jnp.float32)
    pos = jax.random.normal(ks[2], (N, 3), dtype=jnp.float32)
    edge_index_local = jax.random.randint(ks[3], (2, E), 0, N, dtype=jnp.int32)
    edge_index_global = jax.random.randint(ks[4], (2, E), 0, N, dtype=jnp.int32)
    edge_attr_global = jax.random.uniform(ks[5], (E, NB), dtype=jnp.float32)
    batch = jnp.sort(jax.random.randint(ks[6], (N,), 0, G, dtype=jnp.int32))
    batch_edge_global = jnp.sort(jax.random.randint(ks[7], (E,), 0, G, dtype=jnp.int32))
    return {
        'x': x, 't': t, 'pos': pos,
        'edge_index_local': edge_index_local,
        'edge_index_global': edge_index_global,
        'edge_attr_global': edge_attr_global,
        'batch': batch, 'batch_edge_global': batch_edge_global,
        'W_ta': _lin(ks[8], 1, S), 'b_ta': jnp.zeros((S,), jnp.float32),
        'W_tb': _lin(ks[9], 1, ED), 'b_tb': jnp.zeros((ED,), jnp.float32),
        'W_atom': _lin(ks[10], F, S), 'b_atom': jnp.zeros((S,), jnp.float32),
        'W_at': _lin(ks[11], S, S), 'b_at': jnp.zeros((S,), jnp.float32),
        'W_bond': _lin(ks[12], NB, ED), 'b_bond': jnp.zeros((ED,), jnp.float32),
        'W_bt': _lin(ks[13], ED, ED), 'b_bt': jnp.zeros((ED,), jnp.float32),
    }

def reference(x, t, pos, edge_index_local, edge_index_global, edge_attr_global,
              batch, batch_edge_global,
              W_ta, b_ta, W_tb, b_tb, W_atom, b_atom, W_at, b_at,
              W_bond, b_bond, W_bt, b_bt):
    G_ = t.shape[0]
    # pos = pos - scatter_mean(pos, batch)[batch]
    pos_sum = jax.ops.segment_sum(pos, batch, num_segments=G_)
    cnt = jax.ops.segment_sum(jnp.ones((pos.shape[0], 1), pos.dtype), batch, num_segments=G_)
    pos_mean = pos_sum / jnp.clip(cnt, 1.0)
    pos = pos - pos_mean[batch]
    # time embeddings (DenseLayer = linear)
    ta = t @ W_ta + b_ta
    tb = t @ W_tb + b_tb
    tnode = ta[batch]
    tedge_global = tb[batch_edge_global]
    # atom mapping + atom-time mapping
    s = x @ W_atom + b_atom
    s = (s + tnode) @ W_at + b_at
    # bond mapping + bond-time mapping
    ea = edge_attr_global @ W_bond + b_bond
    ea = (ea + tedge_global) @ W_bt + b_bt
    # init vector channel
    v = jnp.zeros((x.shape[0], 3, VD), dtype=s.dtype)
    # calculate_edge_attrs (sqrt=True, no ligand-pocket interaction)
    source = edge_index_global[0]
    target = edge_index_global[1]
    r = pos[target] - pos[source]
    a = jnp.sum(pos[target] * pos[source], axis=-1)
    d = jnp.sqrt(jnp.clip(jnp.sum(r ** 2, axis=-1), 1e-06))
    r_norm = r / (1.0 + d[:, None])
    return (s, v, d, a, r_norm, ea)

if __name__ == "__main__":
    import jax
    _d = setup_inputs()
    print(jax.jit(kernel)(*tuple(_d.values())))

</pallas_src>

<mosaic_0001>
#map = affine_map<(d0, d1) -> (0)>
module attributes {stable_mosaic.version = 14 : i64} {
  func.func @sc_edges(%arg0: i32, %arg1: i32, %arg2: memref<30000xf32, #tpu.memory_space<hbm>>, %arg3: memref<640000xi32, #tpu.memory_space<hbm>>, %arg4: memref<320000xf32, #tpu.memory_space<hbm>>, %arg5: memref<320000xf32, #tpu.memory_space<hbm>>, %arg6: memref<960000xf32, #tpu.memory_space<hbm>>, %arg7: memref<30000xf32, #tpu.memory_space<vmem>>, %arg8: memref<10000xi32, #tpu.memory_space<vmem>>, %arg9: memref<10000xi32, #tpu.memory_space<vmem>>, %arg10: memref<10000xf32, #tpu.memory_space<vmem>>, %arg11: memref<10000xf32, #tpu.memory_space<vmem>>, %arg12: memref<30000xf32, #tpu.memory_space<vmem>>) attributes {dimension_semantics = [#tpu.dimension_semantics<core_parallel>, #tpu.dimension_semantics<subcore_parallel>], iteration_bounds = array<i64: 2, 16>, scalar_prefetch = 0 : i64, scratch_operands = 6 : i64, tpu.core_type = #tpu.core_type<sc_vector_subcore>, window_params = [{transform_indices = #map}, {transform_indices = #map}, {transform_indices = #map}, {transform_indices = #map}, {transform_indices = #map}]} {
    %mul3A = arith.constant 2 : i32
    %mul3A_0 = arith.muli %arg1, %mul3A : i32
    %add3A = arith.addi %mul3A_0, %arg0 : i32
    %mul3A_1 = arith.constant 10000 : i32
    %mul3A_2 = arith.muli %add3A, %mul3A_1 : i32
    "tpu.region"() ({
      %run_scoped3A = tpu.sem_alloc : memref<!tpu.dma_semaphore, #tpu.memory_space<semaphore_mem>>
      tpu.enqueue_dma source(%arg2 : memref<30000xf32, #tpu.memory_space<hbm>>) target(%arg7 : memref<30000xf32, #tpu.memory_space<vmem>>) target_semaphore(%run_scoped3A : memref<!tpu.dma_semaphore, #tpu.memory_space<semaphore_mem>>)
      tpu.wait_dma2 semaphore(%run_scoped3A : memref<!tpu.dma_semaphore, #tpu.memory_space<semaphore_mem>>) src(%arg2 : memref<30000xf32, #tpu.memory_space<hbm>>) dst(%arg7 : memref<30000xf32, #tpu.memory_space<vmem>>)
      tpu.yield
    }) : () -> ()
    "tpu.region"() ({
      %run_scoped3A = tpu.sem_alloc : memref<!tpu.dma_semaphore, #tpu.memory_space<semaphore_mem>>
      %dma_start3A = tpu.memref_slice %arg3[%mul3A_2] : memref<640000xi32, #tpu.memory_space<hbm>> -> memref<10000xi32, #tpu.memory_space<hbm>>
      %dma_start3A_11 = tpu.memref_slice %arg3[%mul3A_2] : memref<640000xi32, #tpu.memory_space<hbm>> -> memref<10000xi32, #tpu.memory_space<hbm>>
      tpu.enqueue_dma source(%dma_start3A_11 : memref<10000xi32, #tpu.memory_space<hbm>>) target(%arg8 : memref<10000xi32, #tpu.memory_space<vmem>>) target_semaphore(%run_scoped3A : memref<!tpu.dma_semaphore, #tpu.memory_space<semaphore_mem>>)
      %dma_wait3A = tpu.memref_slice %arg3[%mul3A_2] : memref<640000xi32, #tpu.memory_space<hbm>> -> memref<10000xi32, #tpu.memory_space<hbm>>
      %dma_wait3A_12 = tpu.memref_slice %arg3[%mul3A_2] : memref<640000xi32, #tpu.memory_space<hbm>> -> memref<10000xi32, #tpu.memory_space<hbm>>
      tpu.wait_dma2 semaphore(%run_scoped3A : memref<!tpu.dma_semaphore, #tpu.memory_space<semaphore_mem>>) src(%dma_wait3A_12 : memref<10000xi32, #tpu.memory_space<hbm>>) dst(%arg8 : memref<10000xi32, #tpu.memory_space<vmem>>)
      tpu.yield
    }) : () -> ()
    %add3A_3 = arith.constant 320000 : i32
    %add3A_4 = arith.addi %add3A_3, %mul3A_2 : i32
    "tpu.region"() ({
      %run_scoped3A = tpu.sem_alloc : memref<!tpu.dma_semaphore, #tpu.memory_space<semaphore_mem>>
      %dma_start3A = tpu.memref_slice %arg3[%add3A_4] : memref<640000xi32, #tpu.memory_space<hbm>> -> memref<10000xi32, #tpu.memory_space<hbm>>
      %dma_start3A_11 = tpu.memref_slice %arg3[%add3A_4] : memref<640000xi32, #tpu.memory_space<hbm>> -> memref<10000xi32, #tpu.memory_space<hbm>>
      tpu.enqueue_dma source(%dma_start3A_11 : memref<10000xi32, #tpu.memory_space<hbm>>) target(%arg9 : memref<10000xi32, #tpu.memory_space<vmem>>) target_semaphore(%run_scoped3A : memref<!tpu.dma_semaphore, #tpu.memory_space<semaphore_mem>>)
      %dma_wait3A = tpu.memref_slice %arg3[%add3A_4] : memref<640000xi32, #tpu.memory_space<hbm>> -> memref<10000xi32, #tpu.memory_space<hbm>>
      %dma_wait3A_12 = tpu.memref_slice %arg3[%add3A_4] : memref<640000xi32, #tpu.memory_space<hbm>> -> memref<10000xi32, #tpu.memory_space<hbm>>
      tpu.wait_dma2 semaphore(%run_scoped3A : memref<!tpu.dma_semaphore, #tpu.memory_space<semaphore_mem>>) src(%dma_wait3A_12 : memref<10000xi32, #tpu.memory_space<hbm>>) dst(%arg9 : memref<10000xi32, #tpu.memory_space<vmem>>)
      tpu.yield
    }) : () -> ()
    %parallel_loop3A = arith.constant 0 : i32
    %parallel_loop3A_5 = arith.constant 10000 : i32
    %parallel_loop3A_6 = arith.constant 16 : i32
    scf.for %parallel_loop3A_11 = %parallel_loop3A to %parallel_loop3A_5 step %parallel_loop3A_6  : i32 {
      %parallel_loop3A_12 = arith.index_cast %parallel_loop3A_11 : i32 to index
      %parallel_loop3A_13 = tpu.vector_load %arg8[%parallel_loop3A_12] {strides = array<i32>} : memref<10000xi32, #tpu.memory_space<vmem>>, vector<16xi32>,
      %parallel_loop3A_14 = arith.index_cast %parallel_loop3A_11 : i32 to index
      %parallel_loop3A_15 = tpu.vector_load %arg9[%parallel_loop3A_14] {strides = array<i32>} : memref<10000xi32, #tpu.memory_space<vmem>>, vector<16xi32>,
      %parallel_loop3A_16 = tpu.vector_load_idx %arg7[%parallel_loop3A_13] : memref<30000xf32, #tpu.memory_space<vmem>>[vector<16xi32>], vector<16xf32>,
      %parallel_loop3A_17 = arith.constant 10000 : i32
      %parallel_loop3A_18 = vector.broadcast %parallel_loop3A_17 : i32 to vector<16xi32>
      %parallel_loop3A_19 = arith.addi %parallel_loop3A_13, %parallel_loop3A_18 : vector<16xi32>
      %parallel_loop3A_20 = tpu.vector_load_idx %arg7[%parallel_loop3A_19] : memref<30000xf32, #tpu.memory_space<vmem>>[vector<16xi32>], vector<16xf32>,
      %parallel_loop3A_21 = arith.constant 20000 : i32
      %parallel_loop3A_22 = vector.broadcast %parallel_loop3A_21 : i32 to vector<16xi32>
      %parallel_loop3A_23 = arith.addi %parallel_loop3A_13, %parallel_loop3A_22 : vector<16xi32>
      %parallel_loop3A_24 = tpu.vector_load_idx %arg7[%parallel_loop3A_23] : memref<30000xf32, #tpu.memory_space<vmem>>[vector<16xi32>], vector<16xf32>,
      %parallel_loop3A_25 = tpu.vector_load_idx %arg7[%parallel_loop3A_15] : memref<30000xf32, #tpu.memory_space<vmem>>[vector<16xi32>], vector<16xf32>,
      %parallel_loop3A_26 = arith.constant 10000 : i32
      %parallel_loop3A_27 = vector.broadcast %parallel_loop3A_26 : i32 to vector<16xi32>
      %parallel_loop3A_28 = arith.addi %parallel_loop3A_15, %parallel_loop3A_27 : vector<16xi32>
      %parallel_loop3A_29 = tpu.vector_load_idx %arg7[%parallel_loop3A_28] : memref<30000xf32, #tpu.memory_space<vmem>>[vector<16xi32>], vector<16xf32>,
      %parallel_loop3A_30 = arith.constant 20000 : i32
      %parallel_loop3A_31 = vector.broadcast %parallel_loop3A_30 : i32 to vector<16xi32>
      %parallel_loop3A_32 = arith.addi %parallel_loop3A_15, %parallel_loop3A_31 : vector<16xi32>
      %parallel_loop3A_33 = tpu.vector_load_idx %arg7[%parallel_loop3A_32] : memref<30000xf32, #tpu.memory_space<vmem>>[vector<16xi32>], vector<16xf32>,
      %parallel_loop3A_34 = arith.subf %parallel_loop3A_25, %parallel_loop3A_16 : vector<16xf32>
      %parallel_loop3A_35 = arith.subf %parallel_loop3A_29, %parallel_loop3A_20 : vector<16xf32>
      %parallel_loop3A_36 = arith.subf %parallel_loop3A_33, %parallel_loop3A_24 : vector<16xf32>
      %parallel_loop3A_37 = arith.mulf %parallel_loop3A_16, %parallel_loop3A_25 : vector<16xf32>
      %parallel_loop3A_38 = arith.mulf %parallel_loop3A_20, %parallel_loop3A_29 : vector<16xf32>
      %parallel_loop3A_39 = arith.addf %parallel_loop3A_37, %parallel_loop3A_38 : vector<16xf32>
      %parallel_loop3A_40 = arith.mulf %parallel_loop3A_24, %parallel_loop3A_33 : vector<16xf32>
      %parallel_loop3A_41 = arith.addf %parallel_loop3A_39, %parallel_loop3A_40 : vector<16xf32>
      %parallel_loop3A_42 = arith.mulf %parallel_loop3A_34, %parallel_loop3A_34 : vector<16xf32>
      %parallel_loop3A_43 = arith.mulf %parallel_loop3A_35, %parallel_loop3A_35 : vector<16xf32>
      %parallel_loop3A_44 = arith.addf %parallel_loop3A_42, %parallel_loop3A_43 : vector<16xf32>
      %parallel_loop3A_45 = arith.mulf %parallel_loop3A_36, %parallel_loop3A_36 : vector<16xf32>
      %parallel_loop3A_46 = arith.addf %parallel_loop3A_44, %parallel_loop3A_45 : vector<16xf32>
      %parallel_loop3A_47 = arith.constant 9.99999997E-7 : f32
      %parallel_loop3A_48 = vector.broadcast %parallel_loop3A_47 : f32 to vector<16xf32>
      %parallel_loop3A_49 = arith.maximumf %parallel_loop3A_46, %parallel_loop3A_48 : vector<16xf32>
      %parallel_loop3A_50 = vector.bitcast %parallel_loop3A_49 : vector<16xf32> to vector<16xi32>
      %parallel_loop3A_51 = arith.constant 1 : i32
      %parallel_loop3A_52 = vector.broadcast %parallel_loop3A_51 : i32 to vector<16xi32>
      %parallel_loop3A_53 = arith.shrsi %parallel_loop3A_50, %parallel_loop3A_52 : vector<16xi32>
      %parallel_loop3A_54 = arith.constant 1597463007 : i32
      %parallel_loop3A_55 = vector.broadcast %parallel_loop3A_54 : i32 to vector<16xi32>
      %parallel_loop3A_56 = arith.subi %parallel_loop3A_55, %parallel_loop3A_53 : vector<16xi32>
      %parallel_loop3A_57 = vector.bitcast %parallel_loop3A_56 : vector<16xi32> to vector<16xf32>
      %parallel_loop3A_58 = arith.constant 5.000000e-01 : f32
      %parallel_loop3A_59 = vector.broadcast %parallel_loop3A_58 : f32 to vector<16xf32>
      %parallel_loop3A_60 = arith.mulf %parallel_loop3A_59, %parallel_loop3A_49 : vector<16xf32>
      %parallel_loop3A_61 = arith.mulf %parallel_loop3A_60, %parallel_loop3A_57 : vector<16xf32>
      %parallel_loop3A_62 = arith.mulf %parallel_loop3A_61, %parallel_loop3A_57 : vector<16xf32>
      %parallel_loop3A_63 = arith.constant 1.500000e+00 : f32
      %parallel_loop3A_64 = vector.broadcast %parallel_loop3A_63 : f32 to vector<16xf32>
      %parallel_loop3A_65 = arith.subf %parallel_loop3A_64, %parallel_loop3A_62 : vector<16xf32>
      %parallel_loop3A_66 = arith.mulf %parallel_loop3A_57, %parallel_loop3A_65 : vector<16xf32>
      %parallel_loop3A_67 = arith.constant 5.000000e-01 : f32
      %parallel_loop3A_68 = vector.broadcast %parallel_loop3A_67 : f32 to vector<16xf32>
      %parallel_loop3A_69 = arith.mulf %parallel_loop3A_68, %parallel_loop3A_49 : vector<16xf32>
      %parallel_loop3A_70 = arith.mulf %parallel_loop3A_69, %parallel_loop3A_66 : vector<16xf32>
      %parallel_loop3A_71 = arith.mulf %parallel_loop3A_70, %parallel_loop3A_66 : vector<16xf32>
      %parallel_loop3A_72 = arith.constant 1.500000e+00 : f32
      %parallel_loop3A_73 = vector.broadcast %parallel_loop3A_72 : f32 to vector<16xf32>
      %parallel_loop3A_74 = arith.subf %parallel_loop3A_73, %parallel_loop3A_71 : vector<16xf32>
      %parallel_loop3A_75 = arith.mulf %parallel_loop3A_66, %parallel_loop3A_74 : vector<16xf32>
      %parallel_loop3A_76 = arith.mulf %parallel_loop3A_49, %parallel_loop3A_75 : vector<16xf32>
      %parallel_loop3A_77 = arith.constant 1.000000e+00 : f32
      %parallel_loop3A_78 = vector.broadcast %parallel_loop3A_77 : f32 to vector<16xf32>
      %parallel_loop3A_79 = arith.addf %parallel_loop3A_78, %parallel_loop3A_76 : vector<16xf32>
      %parallel_loop3A_80 = arith.constant 1.000000e+00 : f32
      %parallel_loop3A_81 = vector.broadcast %parallel_loop3A_80 : f32 to vector<16xf32>
      %parallel_loop3A_82 = arith.divf %parallel_loop3A_81, %parallel_loop3A_79 : vector<16xf32>
      %parallel_loop3A_83 = arith.index_cast %parallel_loop3A_11 : i32 to index
      %parallel_loop3A_84 = tpu.vector_load %arg10[%parallel_loop3A_83] {strides = array<i32>} : memref<10000xf32, #tpu.memory_space<vmem>>, vector<16xf32>,
      tpu.vector_store %arg10[%parallel_loop3A_83], %parallel_loop3A_76 {strides = array<i32>} : memref<10000xf32, #tpu.memory_space<vmem>>, vector<16xf32>,
      %parallel_loop3A_85 = arith.index_cast %parallel_loop3A_11 : i32 to index
      %parallel_loop3A_86 = tpu.vector_load %arg11[%parallel_loop3A_85] {strides = array<i32>} : memref<10000xf32, #tpu.memory_space<vmem>>, vector<16xf32>,
      tpu.vector_store %arg11[%parallel_loop3A_85], %parallel_loop3A_41 {strides = array<i32>} : memref<10000xf32, #tpu.memory_space<vmem>>, vector<16xf32>,
      %parallel_loop3A_87 = arith.mulf %parallel_loop3A_34, %parallel_loop3A_82 : vector<16xf32>
      %parallel_loop3A_88 = arith.index_cast %parallel_loop3A_11 : i32 to index
      %parallel_loop3A_89 = tpu.vector_load %arg12[%parallel_loop3A_88] {strides = array<i32>} : memref<30000xf32, #tpu.memory_space<vmem>>, vector<16xf32>,
      tpu.vector_store %arg12[%parallel_loop3A_88], %parallel_loop3A_87 {strides = array<i32>} : memref<30000xf32, #tpu.memory_space<vmem>>, vector<16xf32>,
      %parallel_loop3A_90 = arith.mulf %parallel_loop3A_35, %parallel_loop3A_82 : vector<16xf32>
      %parallel_loop3A_91 = arith.constant 10000 : i32
      %parallel_loop3A_92 = arith.addi %parallel_loop3A_91, %parallel_loop3A_11 : i32
      %parallel_loop3A_93 = arith.index_cast %parallel_loop3A_92 : i32 to index
      %parallel_loop3A_94 = tpu.vector_load %arg12[%parallel_loop3A_93] {strides = array<i32>} : memref<30000xf32, #tpu.memory_space<vmem>>, vector<16xf32>,
      tpu.vector_store %arg12[%parallel_loop3A_93], %parallel_loop3A_90 {strides = array<i32>} : memref<30000xf32, #tpu.memory_space<vmem>>, vector<16xf32>,
      %parallel_loop3A_95 = arith.mulf %parallel_loop3A_36, %parallel_loop3A_82 : vector<16xf32>
      %parallel_loop3A_96 = arith.constant 20000 : i32
      %parallel_loop3A_97 = arith.addi %parallel_loop3A_96, %parallel_loop3A_11 : i32
      %parallel_loop3A_98 = arith.index_cast %parallel_loop3A_97 : i32 to index
      %parallel_loop3A_99 = tpu.vector_load %arg12[%parallel_loop3A_98] {strides = array<i32>} : memref<30000xf32, #tpu.memory_space<vmem>>, vector<16xf32>,
      tpu.vector_store %arg12[%parallel_loop3A_98], %parallel_loop3A_95 {strides = array<i32>} : memref<30000xf32, #tpu.memory_space<vmem>>, vector<16xf32>,
    } {sc.loop_unroll_factor = 1 : i64, sc.parallel_access}
    "tpu.region"() ({
      %run_scoped3A = tpu.sem_alloc : memref<!tpu.dma_semaphore, #tpu.memory_space<semaphore_mem>>
      %dma_start3A = tpu.memref_slice %arg4[%mul3A_2] : memref<320000xf32, #tpu.memory_space<hbm>> -> memref<10000xf32, #tpu.memory_space<hbm>>
      %dma_start3A_11 = tpu.memref_slice %arg4[%mul3A_2] : memref<320000xf32, #tpu.memory_space<hbm>> -> memref<10000xf32, #tpu.memory_space<hbm>>
      tpu.enqueue_dma source(%arg10 : memref<10000xf32, #tpu.memory_space<vmem>>) target(%dma_start3A_11 : memref<10000xf32, #tpu.memory_space<hbm>>) target_semaphore(%run_scoped3A : memref<!tpu.dma_semaphore, #tpu.memory_space<semaphore_mem>>)
      %dma_wait3A = tpu.memref_slice %arg4[%mul3A_2] : memref<320000xf32, #tpu.memory_space<hbm>> -> memref<10000xf32, #tpu.memory_space<hbm>>
      %dma_wait3A_12 = tpu.memref_slice %arg4[%mul3A_2] : memref<320000xf32, #tpu.memory_space<hbm>> -> memref<10000xf32, #tpu.memory_space<hbm>>
      tpu.wait_dma2 semaphore(%run_scoped3A : memref<!tpu.dma_semaphore, #tpu.memory_space<semaphore_mem>>) src(%arg10 : memref<10000xf32, #tpu.memory_space<vmem>>) dst(%dma_wait3A_12 : memref<10000xf32, #tpu.memory_space<hbm>>)
      tpu.yield
    }) : () -> ()
    "tpu.region"() ({
      %run_scoped3A = tpu.sem_alloc : memref<!tpu.dma_semaphore, #tpu.memory_space<semaphore_mem>>
      %dma_start3A = tpu.memref_slice %arg5[%mul3A_2] : memref<320000xf32, #tpu.memory_space<hbm>> -> memref<10000xf32, #tpu.memory_space<hbm>>
      %dma_start3A_11 = tpu.memref_slice %arg5[%mul3A_2] : memref<320000xf32, #tpu.memory_space<hbm>> -> memref<10000xf32, #tpu.memory_space<hbm>>
      tpu.enqueue_dma source(%arg11 : memref<10000xf32, #tpu.memory_space<vmem>>) target(%dma_start3A_11 : memref<10000xf32, #tpu.memory_space<hbm>>) target_semaphore(%run_scoped3A : memref<!tpu.dma_semaphore, #tpu.memory_space<semaphore_mem>>)
      %dma_wait3A = tpu.memref_slice %arg5[%mul3A_2] : memref<320000xf32, #tpu.memory_space<hbm>> -> memref<10000xf32, #tpu.memory_space<hbm>>
      %dma_wait3A_12 = tpu.memref_slice %arg5[%mul3A_2] : memref<320000xf32, #tpu.memory_space<hbm>> -> memref<10000xf32, #tpu.memory_space<hbm>>
      tpu.wait_dma2 semaphore(%run_scoped3A : memref<!tpu.dma_semaphore, #tpu.memory_space<semaphore_mem>>) src(%arg11 : memref<10000xf32, #tpu.memory_space<vmem>>) dst(%dma_wait3A_12 : memref<10000xf32, #tpu.memory_space<hbm>>)
      tpu.yield
    }) : () -> ()
    "tpu.region"() ({
      %run_scoped3A = tpu.sem_alloc : memref<!tpu.dma_semaphore, #tpu.memory_space<semaphore_mem>>
      %dma_start3A = arith.constant 0 : i32
      %dma_start3A_11 = tpu.memref_slice %arg12[%dma_start3A] : memref<30000xf32, #tpu.memory_space<vmem>> -> memref<10000xf32, #tpu.memory_space<vmem>>
      %dma_start3A_12 = tpu.memref_slice %arg6[%mul3A_2] : memref<960000xf32, #tpu.memory_space<hbm>> -> memref<10000xf32, #tpu.memory_space<hbm>>
      %dma_start3A_13 = tpu.memref_slice %arg6[%mul3A_2] : memref<960000xf32, #tpu.memory_space<hbm>> -> memref<10000xf32, #tpu.memory_space<hbm>>
      %dma_start3A_14 = arith.constant 0 : i32
      %dma_start3A_15 = tpu.memref_slice %arg12[%dma_start3A_14] : memref<30000xf32, #tpu.memory_space<vmem>> -> memref<10000xf32, #tpu.memory_space<vmem>>
      tpu.enqueue_dma source(%dma_start3A_15 : memref<10000xf32, #tpu.memory_space<vmem>>) target(%dma_start3A_13 : memref<10000xf32, #tpu.memory_space<hbm>>) target_semaphore(%run_scoped3A : memref<!tpu.dma_semaphore, #tpu.memory_space<semaphore_mem>>)
      %dma_wait3A = arith.constant 0 : i32
      %dma_wait3A_16 = tpu.memref_slice %arg12[%dma_wait3A] : memref<30000xf32, #tpu.memory_space<vmem>> -> memref<10000xf32, #tpu.memory_space<vmem>>
      %dma_wait3A_17 = tpu.memref_slice %arg6[%mul3A_2] : memref<960000xf32, #tpu.memory_space<hbm>> -> memref<10000xf32, #tpu.memory_space<hbm>>
      %dma_wait3A_18 = tpu.memref_slice %arg6[%mul3A_2] : memref<960000xf32, #tpu.memory_space<hbm>> -> memref<10000xf32, #tpu.memory_space<hbm>>
      %dma_wait3A_19 = arith.constant 0 : i32
      %dma_wait3A_20 = tpu.memref_slice %arg12[%dma_wait3A_19] : memref<30000xf32, #tpu.memory_space<vmem>> -> memref<10000xf32, #tpu.memory_space<vmem>>
      tpu.wait_dma2 semaphore(%run_scoped3A : memref<!tpu.dma_semaphore, #tpu.memory_space<semaphore_mem>>) src(%dma_wait3A_20 : memref<10000xf32, #tpu.memory_space<vmem>>) dst(%dma_wait3A_18 : memref<10000xf32, #tpu.memory_space<hbm>>)
      tpu.yield
    }) : () -> ()
    %add3A_7 = arith.constant 320000 : i32
    %add3A_8 = arith.addi %add3A_7, %mul3A_2 : i32
    "tpu.region"() ({
      %run_scoped3A = tpu.sem_alloc : memref<!tpu.dma_semaphore, #tpu.memory_space<semaphore_mem>>
      %dma_start3A = arith.constant 10000 : i32
      %dma_start3A_11 = tpu.memref_slice %arg12[%dma_start3A] : memref<30000xf32, #tpu.memory_space<vmem>> -> memref<10000xf32, #tpu.memory_space<vmem>>
      %dma_start3A_12 = tpu.memref_slice %arg6[%add3A_8] : memref<960000xf32, #tpu.memory_space<hbm>> -> memref<10000xf32, #tpu.memory_space<hbm>>
      %dma_start3A_13 = tpu.memref_slice %arg6[%add3A_8] : memref<960000xf32, #tpu.memory_space<hbm>> -> memref<10000xf32, #tpu.memory_space<hbm>>
      %dma_start3A_14 = arith.constant 10000 : i32
      %dma_start3A_15 = tpu.memref_slice %arg12[%dma_start3A_14] : memref<30000xf32, #tpu.memory_space<vmem>> -> memref<10000xf32, #tpu.memory_space<vmem>>
      tpu.enqueue_dma source(%dma_start3A_15 : memref<10000xf32, #tpu.memory_space<vmem>>) target(%dma_start3A_13 : memref<10000xf32, #tpu.memory_space<hbm>>) target_semaphore(%run_scoped3A : memref<!tpu.dma_semaphore, #tpu.memory_space<semaphore_mem>>)
      %dma_wait3A = arith.constant 10000 : i32
      %dma_wait3A_16 = tpu.memref_slice %arg12[%dma_wait3A] : memref<30000xf32, #tpu.memory_space<vmem>> -> memref<10000xf32, #tpu.memory_space<vmem>>
      %dma_wait3A_17 = tpu.memref_slice %arg6[%add3A_8] : memref<960000xf32, #tpu.memory_space<hbm>> -> memref<10000xf32, #tpu.memory_space<hbm>>
      %dma_wait3A_18 = tpu.memref_slice %arg6[%add3A_8] : memref<960000xf32, #tpu.memory_space<hbm>> -> memref<10000xf32, #tpu.memory_space<hbm>>
      %dma_wait3A_19 = arith.constant 10000 : i32
      %dma_wait3A_20 = tpu.memref_slice %arg12[%dma_wait3A_19] : memref<30000xf32, #tpu.memory_space<vmem>> -> memref<10000xf32, #tpu.memory_space<vmem>>
      tpu.wait_dma2 semaphore(%run_scoped3A : memref<!tpu.dma_semaphore, #tpu.memory_space<semaphore_mem>>) src(%dma_wait3A_20 : memref<10000xf32, #tpu.memory_space<vmem>>) dst(%dma_wait3A_18 : memref<10000xf32, #tpu.memory_space<hbm>>)
      tpu.yield
    }) : () -> ()
    %add3A_9 = arith.constant 640000 : i32
    %add3A_10 = arith.addi %add3A_9, %mul3A_2 : i32
    "tpu.region"() ({
      %run_scoped3A = tpu.sem_alloc : memref<!tpu.dma_semaphore, #tpu.memory_space<semaphore_mem>>
      %dma_start3A = arith.constant 20000 : i32
      %dma_start3A_11 = tpu.memref_slice %arg12[%dma_start3A] : memref<30000xf32, #tpu.memory_space<vmem>> -> memref<10000xf32, #tpu.memory_space<vmem>>
      %dma_start3A_12 = tpu.memref_slice %arg6[%add3A_10] : memref<960000xf32, #tpu.memory_space<hbm>> -> memref<10000xf32, #tpu.memory_space<hbm>>
      %dma_start3A_13 = tpu.memref_slice %arg6[%add3A_10] : memref<960000xf32, #tpu.memory_space<hbm>> -> memref<10000xf32, #tpu.memory_space<hbm>>
      %dma_start3A_14 = arith.constant 20000 : i32
      %dma_start3A_15 = tpu.memref_slice %arg12[%dma_start3A_14] : memref<30000xf32, #tpu.memory_space<vmem>> -> memref<10000xf32, #tpu.memory_space<vmem>>
      tpu.enqueue_dma source(%dma_start3A_15 : memref<10000xf32, #tpu.memory_space<vmem>>) target(%dma_start3A_13 : memref<10000xf32, #tpu.memory_space<hbm>>) target_semaphore(%run_scoped3A : memref<!tpu.dma_semaphore, #tpu.memory_space<semaphore_mem>>)
      %dma_wait3A = arith.constant 20000 : i32
      %dma_wait3A_16 = tpu.memref_slice %arg12[%dma_wait3A] : memref<30000xf32, #tpu.memory_space<vmem>> -> memref<10000xf32, #tpu.memory_space<vmem>>
      %dma_wait3A_17 = tpu.memref_slice %arg6[%add3A_10] : memref<960000xf32, #tpu.memory_space<hbm>> -> memref<10000xf32, #tpu.memory_space<hbm>>
      %dma_wait3A_18 = tpu.memref_slice %arg6[%add3A_10] : memref<960000xf32, #tpu.memory_space<hbm>> -> memref<10000xf32, #tpu.memory_space<hbm>>
      %dma_wait3A_19 = arith.constant 20000 : i32
      %dma_wait3A_20 = tpu.memref_slice %arg12[%dma_wait3A_19] : memref<30000xf32, #tpu.memory_space<vmem>> -> memref<10000xf32, #tpu.memory_space<vmem>>
      tpu.wait_dma2 semaphore(%run_scoped3A : memref<!tpu.dma_semaphore, #tpu.memory_space<semaphore_mem>>) src(%dma_wait3A_20 : memref<10000xf32, #tpu.memory_space<vmem>>) dst(%dma_wait3A_18 : memref<10000xf32, #tpu.memory_space<hbm>>)
      tpu.yield
    }) : () -> ()
    return
  }
}

module attributes {stable_mosaic.version = 14 : i64} {
  func.func @_prep_body(%arg0: memref<1x10000xi32, #tpu.memory_space<vmem>>, %arg1: memref<3x10000xf32, #tpu.memory_space<vmem>>, %arg2: memref<64x1xf32, #tpu.memory_space<vmem>>, %arg3: memref<1x256xf32, #tpu.memory_space<vmem>>, %arg4: memref<1x256xf32, #tpu.memory_space<vmem>>, %arg5: memref<1x32xf32, #tpu.memory_space<vmem>>, %arg6: memref<1x32xf32, #tpu.memory_space<vmem>>, %arg7: memref<1x256xf32, #tpu.memory_space<vmem>>, %arg8: memref<128x256xf32, #tpu.memory_space<vmem>>, %arg9: memref<256x256xf32, #tpu.memory_space<vmem>>, %arg10: memref<1x256xf32, #tpu.memory_space<vmem>>, %arg11: memref<1x32xf32, #tpu.memory_space<vmem>>, %arg12: memref<5x32xf32, #tpu.memory_space<vmem>>, %arg13: memref<32x32xf32, #tpu.memory_space<vmem>>, %arg14: memref<1x32xf32, #tpu.memory_space<vmem>>, %arg15: memref<30000xf32, #tpu.memory_space<vmem>>, %arg16: memref<192x256xf32, #tpu.memory_space<vmem>>, %arg17: memref<69x32xf32, #tpu.memory_space<vmem>>) attributes {dimension_semantics = [], scalar_prefetch = 0 : i64, scratch_operands = 0 : i64, tpu.core_type = #tpu.core_type<tc>} {
    %get3A = arith.constant 0 : index
    %get3A_0 = arith.constant 0 : index
    %get3A_1 = vector.load %arg0[%get3A, %get3A_0] : memref<1x10000xi32, #tpu.memory_space<vmem>>, vector<1x10000xi32>
    %iota3A = tpu.iota {dimensions = array<i32: 0>} : vector<64x10000xi32>
    %eq3A = vector.broadcast %get3A_1 : vector<1x10000xi32> to vector<64x10000xi32>
    %eq3A_2 = arith.cmpi eq, %eq3A, %iota3A : vector<64x10000xi32>
    %convert_element_type3A = arith.extui %eq3A_2 : vector<64x10000xi1> to vector<64x10000xi32>
    %convert_element_type3A_3 = arith.sitofp %convert_element_type3A : vector<64x10000xi32> to vector<64x10000xf32>
    %get3A_4 = arith.constant 0 : index
    %get3A_5 = arith.constant 0 : index
    %get3A_6 = vector.load %arg1[%get3A_4, %get3A_5] : memref<3x10000xf32, #tpu.memory_space<vmem>>, vector<3x10000xf32>
    %broadcast_in_dim3A = arith.constant 1.000000e+00 : f32
    %broadcast_in_dim3A_7 = vector.broadcast %broadcast_in_dim3A : f32 to vector<1x10000xf32>
    %concatenate3A = tpu.concatenate %get3A_6, %broadcast_in_dim3A_7 in 0 : vector<3x10000xf32>, vector<1x10000xf32> -> vector<4x10000xf32>
    %dot_general3A = arith.constant dense<0.000000e+00> : vector<4x64xf32>
    %dot_general3A_8 = tpu.matmul %concatenate3A, %convert_element_type3A_3, %dot_general3A {dimension_numbers = #tpu.dot_dimension_numbers<[1], [1], [0], [0], [0, 0, 1, 0], [], []>, transpose_lhs_hint = false} : vector<4x10000xf32>, vector<64x10000xf32>, vector<4x64xf32> -> vector<4x64xf32>
    %slice3A = vector.extract_strided_slice %dot_general3A_8 {offsets = [3, 0], sizes = [1, 64], strides = [1, 1]} : vector<4x64xf32> to vector<1x64xf32>
    %max3A = arith.constant 1.000000e+00 : f32
    %max3A_9 = vector.broadcast %max3A : f32 to vector<1x64xf32>
    %max3A_10 = arith.maximumf %slice3A, %max3A_9 : vector<1x64xf32>
    %div3A = vector.broadcast %max3A_10 : vector<1x64xf32> to vector<4x64xf32>
    %div3A_11 = arith.divf %dot_general3A_8, %div3A : vector<4x64xf32>
    %dot_general3A_12 = arith.constant dense<0.000000e+00> : vector<4x10000xf32>
    %dot_general3A_13 = tpu.matmul %div3A_11, %convert_element_type3A_3, %dot_general3A_12 {dimension_numbers = #tpu.dot_dimension_numbers<[1], [0], [0], [1], [0, 0, 1, 1], [], []>, transpose_lhs_hint = false} : vector<4x64xf32>, vector<64x10000xf32>, vector<4x10000xf32> -> vector<4x10000xf32>
    %sub3A = arith.subf %concatenate3A, %dot_general3A_13 : vector<4x10000xf32>
    %slice3A_14 = vector.extract_strided_slice %sub3A {offsets = [0, 0], sizes = [1, 10000], strides = [1, 1]} : vector<4x10000xf32> to vector<1x10000xf32>
    %squeeze3A = vector.shape_cast %slice3A_14 : vector<1x10000xf32> to vector<10000xf32>
    %swap3A = arith.constant 0 : index
    %swap3A_15 = vector.load %arg15[%swap3A] : memref<30000xf32, #tpu.memory_space<vmem>>, vector<10000xf32>
    tpu.vector_store %arg15[%swap3A], %squeeze3A {strides = array<i32>} : memref<30000xf32, #tpu.memory_space<vmem>>, vector<10000xf32>,
    %slice3A_16 = vector.extract_strided_slice %sub3A {offsets = [1, 0], sizes = [1, 10000], strides = [1, 1]} : vector<4x10000xf32> to vector<1x10000xf32>
    %squeeze3A_17 = vector.shape_cast %slice3A_16 : vector<1x10000xf32> to vector<10000xf32>
    %swap3A_18 = arith.constant 10000 : index
    %swap3A_19 = vector.load %arg15[%swap3A_18] : memref<30000xf32, #tpu.memory_space<vmem>>, vector<10000xf32>
    tpu.vector_store %arg15[%swap3A_18], %squeeze3A_17 {strides = array<i32>} : memref<30000xf32, #tpu.memory_space<vmem>>, vector<10000xf32>,
    %slice3A_20 = vector.extract_strided_slice %sub3A {offsets = [2, 0], sizes = [1, 10000], strides = [1, 1]} : vector<4x10000xf32> to vector<1x10000xf32>
    %squeeze3A_21 = vector.shape_cast %slice3A_20 : vector<1x10000xf32> to vector<10000xf32>
    %swap3A_22 = arith.constant 20000 : index
    %swap3A_23 = vector.load %arg15[%swap3A_22] : memref<30000xf32, #tpu.memory_space<vmem>>, vector<10000xf32>
    tpu.vector_store %arg15[%swap3A_22], %squeeze3A_21 {strides = array<i32>} : memref<30000xf32, #tpu.memory_space<vmem>>, vector<10000xf32>,
    %get3A_24 = arith.constant 0 : index
    %get3A_25 = arith.constant 0 : index
    %get3A_26 = vector.load %arg2[%get3A_24, %get3A_25] : memref<64x1xf32, #tpu.memory_space<vmem>>, vector<64x1xf32>
    %get3A_27 = arith.constant 0 : index
    %get3A_28 = arith.constant 0 : index
    %get3A_29 = vector.load %arg3[%get3A_27, %get3A_28] : memref<1x256xf32, #tpu.memory_space<vmem>>, vector<1x256xf32>
    %mul3A = vector.broadcast %get3A_26 : vector<64x1xf32> to vector<64x256xf32>
    %mul3A_30 = vector.broadcast %get3A_29 : vector<1x256xf32> to vector<64x256xf32>
    %mul3A_31 = arith.mulf %mul3A, %mul3A_30 : vector<64x256xf32>
    %get3A_32 = arith.constant 0 : index
    %get3A_33 = arith.constant 0 : index
    %get3A_34 = vector.load %arg4[%get3A_32, %get3A_33] : memref<1x256xf32, #tpu.memory_space<vmem>>, vector<1x256xf32>
    %add3A = vector.broadcast %get3A_34 : vector<1x256xf32> to vector<64x256xf32>
    %add3A_35 = arith.addf %mul3A_31, %add3A : vector<64x256xf32>
    %get3A_36 = arith.constant 0 : index
    %get3A_37 = arith.constant 0 : index
    %get3A_38 = vector.load %arg7[%get3A_36, %get3A_37] : memref<1x256xf32, #tpu.memory_space<vmem>>, vector<1x256xf32>
    %add3A_39 = vector.broadcast %get3A_38 : vector<1x256xf32> to vector<64x256xf32>
    %add3A_40 = arith.addf %add3A_35, %add3A_39 : vector<64x256xf32>
    %get3A_41 = arith.constant 0 : index
    %get3A_42 = arith.constant 0 : index
    %get3A_43 = vector.load %arg9[%get3A_41, %get3A_42] : memref<256x256xf32, #tpu.memory_space<vmem>>, vector<256x256xf32>
    %dot_general3A_44 = arith.constant dense<0.000000e+00> : vector<64x256xf32>
    %dot_general3A_45 = tpu.matmul %add3A_40, %get3A_43, %dot_general3A_44 {dimension_numbers = #tpu.dot_dimension_numbers<[1], [0], [0], [1], [0, 0, 1, 1], [], []>, transpose_lhs_hint = false} : vector<64x256xf32>, vector<256x256xf32>, vector<64x256xf32> -> vector<64x256xf32>
    %get3A_46 = arith.constant 0 : index
    %get3A_47 = arith.constant 0 : index
    %get3A_48 = vector.load %arg10[%get3A_46, %get3A_47] : memref<1x256xf32, #tpu.memory_space<vmem>>, vector<1x256xf32>
    %add3A_49 = vector.broadcast %get3A_48 : vector<1x256xf32> to vector<64x256xf32>
    %add3A_50 = arith.addf %dot_general3A_45, %add3A_49 : vector<64x256xf32>
    %get3A_51 = arith.constant 0 : index
    %get3A_52 = arith.constant 0 : index
    %get3A_53 = vector.load %arg2[%get3A_51, %get3A_52] : memref<64x1xf32, #tpu.memory_space<vmem>>, vector<64x1xf32>
    %get3A_54 = arith.constant 0 : index
    %get3A_55 = arith.constant 0 : index
    %get3A_56 = vector.load %arg5[%get3A_54, %get3A_55] : memref<1x32xf32, #tpu.memory_space<vmem>>, vector<1x32xf32>
    %mul3A_57 = vector.broadcast %get3A_53 : vector<64x1xf32> to vector<64x32xf32>
    %mul3A_58 = vector.broadcast %get3A_56 : vector<1x32xf32> to vector<64x32xf32>
    %mul3A_59 = arith.mulf %mul3A_57, %mul3A_58 : vector<64x32xf32>
    %get3A_60 = arith.constant 0 : index
    %get3A_61 = arith.constant 0 : index
    %get3A_62 = vector.load %arg6[%get3A_60, %get3A_61] : memref<1x32xf32, #tpu.memory_space<vmem>>, vector<1x32xf32>
    %add3A_63 = vector.broadcast %get3A_62 : vector<1x32xf32> to vector<64x32xf32>
    %add3A_64 = arith.addf %mul3A_59, %add3A_63 : vector<64x32xf32>
    %get3A_65 = arith.constant 0 : index
    %get3A_66 = arith.constant 0 : index
    %get3A_67 = vector.load %arg11[%get3A_65, %get3A_66] : memref<1x32xf32, #tpu.memory_space<vmem>>, vector<1x32xf32>
    %add3A_68 = vector.broadcast %get3A_67 : vector<1x32xf32> to vector<64x32xf32>
    %add3A_69 = arith.addf %add3A_64, %add3A_68 : vector<64x32xf32>
    %get3A_70 = arith.constant 0 : index
    %get3A_71 = arith.constant 0 : index
    %get3A_72 = vector.load %arg13[%get3A_70, %get3A_71] : memref<32x32xf32, #tpu.memory_space<vmem>>, vector<32x32xf32>
    %dot_general3A_73 = arith.constant dense<0.000000e+00> : vector<64x32xf32>
    %dot_general3A_74 = tpu.matmul %add3A_69, %get3A_72, %dot_general3A_73 {dimension_numbers = #tpu.dot_dimension_numbers<[1], [0], [0], [1], [0, 0, 1, 1], [], []>, transpose_lhs_hint = false} : vector<64x32xf32>, vector<32x32xf32>, vector<64x32xf32> -> vector<64x32xf32>
    %get3A_75 = arith.constant 0 : index
    %get3A_76 = arith.constant 0 : index
    %get3A_77 = vector.load %arg14[%get3A_75, %get3A_76] : memref<1x32xf32, #tpu.memory_space<vmem>>, vector<1x32xf32>
    %add3A_78 = vector.broadcast %get3A_77 : vector<1x32xf32> to vector<64x32xf32>
    %add3A_79 = arith.addf %dot_general3A_74, %add3A_78 : vector<64x32xf32>
    %get3A_80 = arith.constant 0 : index
    %get3A_81 = arith.constant 0 : index
    %get3A_82 = vector.load %arg8[%get3A_80, %get3A_81] : memref<128x256xf32, #tpu.memory_space<vmem>>, vector<128x256xf32>
    %get3A_83 = arith.constant 0 : index
    %get3A_84 = arith.constant 0 : index
    %get3A_85 = vector.load %arg9[%get3A_83, %get3A_84] : memref<256x256xf32, #tpu.memory_space<vmem>>, vector<256x256xf32>
    %dot_general3A_86 = arith.constant dense<0.000000e+00> : vector<128x256xf32>
    %dot_general3A_87 = tpu.matmul %get3A_82, %get3A_85, %dot_general3A_86 {dimension_numbers = #tpu.dot_dimension_numbers<[1], [0], [0], [1], [0, 0, 1, 1], [], []>, transpose_lhs_hint = false} : vector<128x256xf32>, vector<256x256xf32>, vector<128x256xf32> -> vector<128x256xf32>
    %get3A_88 = arith.constant 0 : index
    %get3A_89 = arith.constant 0 : index
    %get3A_90 = vector.load %arg12[%get3A_88, %get3A_89] : memref<5x32xf32, #tpu.memory_space<vmem>>, vector<5x32xf32>
    %get3A_91 = arith.constant 0 : index
    %get3A_92 = arith.constant 0 : index
    %get3A_93 = vector.load %arg13[%get3A_91, %get3A_92] : memref<32x32xf32, #tpu.memory_space<vmem>>, vector<32x32xf32>
    %dot_general3A_94 = arith.constant dense<0.000000e+00> : vector<5x32xf32>
    %dot_general3A_95 = tpu.matmul %get3A_90, %get3A_93, %dot_general3A_94 {dimension_numbers = #tpu.dot_dimension_numbers<[1], [0], [0], [1], [0, 0, 1, 1], [], []>, transpose_lhs_hint = false} : vector<5x32xf32>, vector<32x32xf32>, vector<5x32xf32> -> vector<5x32xf32>
    %concatenate3A_96 = tpu.concatenate %dot_general3A_87, %add3A_50 in 0 : vector<128x256xf32>, vector<64x256xf32> -> vector<192x256xf32>
    %swap3A_97 = arith.constant 0 : index
    %swap3A_98 = arith.constant 0 : index
    %swap3A_99 = vector.load %arg16[%swap3A_97, %swap3A_98] : memref<192x256xf32, #tpu.memory_space<vmem>>, vector<192x256xf32>
    tpu.vector_store %arg16[%swap3A_97, %swap3A_98], %concatenate3A_96 {strides = array<i32>} : memref<192x256xf32, #tpu.memory_space<vmem>>, vector<192x256xf32>,
    %concatenate3A_100 = tpu.concatenate %dot_general3A_95, %add3A_79 in 0 : vector<5x32xf32>, vector<64x32xf32> -> vector<69x32xf32>
    %swap3A_101 = arith.constant 0 : index
    %swap3A_102 = arith.constant 0 : index
    %swap3A_103 = vector.load %arg17[%swap3A_101, %swap3A_102] : memref<69x32xf32, #tpu.memory_space<vmem>>, vector<69x32xf32>
    tpu.vector_store %arg17[%swap3A_101, %swap3A_102], %concatenate3A_100 {strides = array<i32>} : memref<69x32xf32, #tpu.memory_space<vmem>>, vector<69x32xf32>,
    return
  }
}

module attributes {stable_mosaic.version = 14 : i64} {
  func.func @_node_body(%arg0: i32, %arg1: memref<10000x128xf32, #tpu.memory_space<vmem>>, %arg2: memref<1x10000xi32, #tpu.memory_space<vmem>>, %arg3: memref<192x128xf32, #tpu.memory_space<vmem>>, %arg4: memref<10000x128xf32, #tpu.memory_space<vmem>>) attributes {dimension_semantics = [#tpu.dimension_semantics<arbitrary>], iteration_bounds = array<i64: 2>, scalar_prefetch = 0 : i64, scratch_operands = 0 : i64, tpu.core_type = #tpu.core_type<tc>, window_params = [{pipeline_mode = #tpu.pipeline_mode<synchronous>, transform_indices = @transform_0, window_bounds = array<i64: 10000, 128>}, {pipeline_mode = #tpu.pipeline_mode<synchronous>, transform_indices = @transform_1, window_bounds = array<i64: 1, 10000>}, {transform_indices = @transform_2, window_bounds = array<i64: 192, 128>}, {transform_indices = @transform_3, window_bounds = array<i64: 10000, 128>}]} {
    %get3A = arith.constant 0 : index
    %get3A_0 = arith.constant 0 : index
    %get3A_1 = vector.load %arg2[%get3A, %get3A_0] : memref<1x10000xi32, #tpu.memory_space<vmem>>, vector<1x10000xi32>
    %iota3A = tpu.iota {dimensions = array<i32: 0>} : vector<64x10000xi32>
    %eq3A = vector.broadcast %get3A_1 : vector<1x10000xi32> to vector<64x10000xi32>
    %eq3A_2 = arith.cmpi eq, %eq3A, %iota3A : vector<64x10000xi32>
    %convert_element_type3A = arith.extui %eq3A_2 : vector<64x10000xi1> to vector<64x10000xi32>
    %convert_element_type3A_3 = arith.sitofp %convert_element_type3A : vector<64x10000xi32> to vector<64x10000xf32>
    %get3A_4 = arith.constant 0 : index
    %get3A_5 = arith.constant 0 : index
    %get3A_6 = vector.load %arg1[%get3A_4, %get3A_5] : memref<10000x128xf32, #tpu.memory_space<vmem>>, vector<10000x128xf32>
    %get3A_7 = arith.constant 0 : index
    %get3A_8 = arith.constant 0 : index
    %get3A_9 = vector.load %arg3[%get3A_7, %get3A_8] : memref<192x128xf32, #tpu.memory_space<vmem>>, vector<128x128xf32>
    %dot_general3A = arith.constant dense<0.000000e+00> : vector<10000x128xf32>
    %dot_general3A_10 = tpu.matmul %get3A_6, %get3A_9, %dot_general3A {dimension_numbers = #tpu.dot_dimension_numbers<[1], [0], [0], [1], [0, 0, 1, 1], [], []>, transpose_lhs_hint = false} : vector<10000x128xf32>, vector<128x128xf32>, vector<10000x128xf32> -> vector<10000x128xf32>
    %get3A_11 = arith.constant 128 : index
    %get3A_12 = arith.constant 0 : index
    %get3A_13 = vector.load %arg3[%get3A_11, %get3A_12] : memref<192x128xf32, #tpu.memory_space<vmem>>, vector<64x128xf32>
    %dot_general3A_14 = arith.constant dense<0.000000e+00> : vector<10000x128xf32>
    %dot_general3A_15 = tpu.matmul %convert_element_type3A_3, %get3A_13, %dot_general3A_14 {dimension_numbers = #tpu.dot_dimension_numbers<[0], [0], [1], [1], [0, 1, 1, 1], [], []>, transpose_lhs_hint = false} : vector<64x10000xf32>, vector<64x128xf32>, vector<10000x128xf32> -> vector<10000x128xf32>
    %add3A = arith.addf %dot_general3A_10, %dot_general3A_15 : vector<10000x128xf32>
    %swap3A = arith.constant 0 : index
    %swap3A_16 = arith.constant 0 : index
    %swap3A_17 = vector.load %arg4[%swap3A, %swap3A_16] : memref<10000x128xf32, #tpu.memory_space<vmem>>, vector<10000x128xf32>
    tpu.vector_store %arg4[%swap3A, %swap3A_16], %add3A {strides = array<i32>} : memref<10000x128xf32, #tpu.memory_space<vmem>>, vector<10000x128xf32>,
    return
  }
  func.func @transform_0(%arg0: i32) -> (i32, i32) {
    %c0_i32 = arith.constant 0 : i32
    %c0_i32_0 = arith.constant 0 : i32
    %c0_i32_1 = arith.constant 0 : i32
    return %c0_i32, %c0_i32_0 : i32, i32
  }
  func.func @transform_1(%arg0: i32) -> (i32, i32) {
    %c0_i32 = arith.constant 0 : i32
    %c0_i32_0 = arith.constant 0 : i32
    %c0_i32_1 = arith.constant 0 : i32
    return %c0_i32, %c0_i32_0 : i32, i32
  }
  func.func @transform_2(%arg0: i32) -> (i32, i32) {
    %c0_i32 = arith.constant 0 : i32
    %c0_i32_0 = arith.constant 0 : i32
    return %c0_i32, %arg0 : i32, i32
  }
  func.func @transform_3(%arg0: i32) -> (i32, i32) {
    %c0_i32 = arith.constant 0 : i32
    %c0_i32_0 = arith.constant 0 : i32
    return %c0_i32, %arg0 : i32, i32
  }
}

module attributes {stable_mosaic.version = 14 : i64} {
  func.func @_edge_body(%arg0: i32, %arg1: memref<5x32000xf32, #tpu.memory_space<vmem>>, %arg2: memref<320000xi32, #tpu.memory_space<vmem>>, %arg3: memref<69x32xf32, #tpu.memory_space<vmem>>, %arg4: memref<32x32000xf32, #tpu.memory_space<vmem>>) attributes {dimension_semantics = [#tpu.dimension_semantics<arbitrary>], iteration_bounds = array<i64: 10>, scalar_prefetch = 0 : i64, scratch_operands = 0 : i64, tpu.core_type = #tpu.core_type<tc>, window_params = [{transform_indices = @transform_0, window_bounds = array<i64: 5, 32000>}, {pipeline_mode = #tpu.pipeline_mode<synchronous>, transform_indices = @transform_1, window_bounds = array<i64: 320000>}, {pipeline_mode = #tpu.pipeline_mode<synchronous>, transform_indices = @transform_2, window_bounds = array<i64: 69, 32>}, {transform_indices = @transform_3, window_bounds = array<i64: 32, 32000>}]} {
    %mul3A = arith.constant 32000 : i32
    %mul3A_0 = arith.muli %arg0, %mul3A : i32
    %get3A = arith.index_cast %mul3A_0 : i32 to index
    %get3A_1 = vector.load %arg2[%get3A] : memref<320000xi32, #tpu.memory_space<vmem>>, vector<32000xi32>
    %broadcast_in_dim3A = vector.shape_cast %get3A_1 : vector<32000xi32> to vector<1x32000xi32>
    %iota3A = tpu.iota {dimensions = array<i32: 0>} : vector<64x32000xi32>
    %eq3A = vector.broadcast %broadcast_in_dim3A : vector<1x32000xi32> to vector<64x32000xi32>
    %eq3A_2 = arith.cmpi eq, %eq3A, %iota3A : vector<64x32000xi32>
    %convert_element_type3A = arith.extui %eq3A_2 : vector<64x32000xi1> to vector<64x32000xi32>
    %convert_element_type3A_3 = arith.sitofp %convert_element_type3A : vector<64x32000xi32> to vector<64x32000xf32>
    %get3A_4 = arith.constant 0 : index
    %get3A_5 = arith.constant 0 : index
    %get3A_6 = vector.load %arg1[%get3A_4, %get3A_5] : memref<5x32000xf32, #tpu.memory_space<vmem>>, vector<5x32000xf32>
    %concatenate3A = tpu.concatenate %get3A_6, %convert_element_type3A_3 in 0 : vector<5x32000xf32>, vector<64x32000xf32> -> vector<69x32000xf32>
    %get3A_7 = arith.constant 0 : index
    %get3A_8 = arith.constant 0 : index
    %get3A_9 = vector.load %arg3[%get3A_7, %get3A_8] : memref<69x32xf32, #tpu.memory_space<vmem>>, vector<69x32xf32>
    %dot_general3A = arith.constant dense<0.000000e+00> : vector<32x32000xf32>
    %dot_general3A_10 = tpu.matmul %get3A_9, %concatenate3A, %dot_general3A {dimension_numbers = #tpu.dot_dimension_numbers<[0], [0], [1], [1], [0, 1, 1, 1], [], []>, transpose_lhs_hint = false} : vector<69x32xf32>, vector<69x32000xf32>, vector<32x32000xf32> -> vector<32x32000xf32>
    %swap3A = arith.constant 0 : index
    %swap3A_11 = arith.constant 0 : index
    %swap3A_12 = vector.load %arg4[%swap3A, %swap3A_11] : memref<32x32000xf32, #tpu.memory_space<vmem>>, vector<32x32000xf32>
    tpu.vector_store %arg4[%swap3A, %swap3A_11], %dot_general3A_10 {strides = array<i32>} : memref<32x32000xf32, #tpu.memory_space<vmem>>, vector<32x32000xf32>,
    return
  }
  func.func @transform_0(%arg0: i32) -> (i32, i32) {
    %c0_i32 = arith.constant 0 : i32
    %c0_i32_0 = arith.constant 0 : i32
    return %c0_i32, %arg0 : i32, i32
  }
  func.func @transform_1(%arg0: i32) -> i32 {
    %c0_i32 = arith.constant 0 : i32
    %c0_i32_0 = arith.constant 0 : i32
    return %c0_i32 : i32
  }
  func.func @transform_2(%arg0: i32) -> (i32, i32) {
    %c0_i32 = arith.constant 0 : i32
    %c0_i32_0 = arith.constant 0 : i32
    %c0_i32_1 = arith.constant 0 : i32
    return %c0_i32, %c0_i32_0 : i32, i32
  }
  func.func @transform_3(%arg0: i32) -> (i32, i32) {
    %c0_i32 = arith.constant 0 : i32
    %c0_i32_0 = arith.constant 0 : i32
    return %c0_i32, %arg0 : i32, i32
  }
}

</mosaic_0001>

<sc_bundles>
// kernel: kernel.6.cloned.1.call-start
scs
__scs_entry_jumppad:
0x0: {  	(pc) =	sbr.rel $0x88, $3  }
0x1: {  	(tag) =	ssettag $0x0;
	lr =	simm.s32 $0x1  }
0x2: {  	[smem:$0x3F8E] =	sst lr;
	_ =	strace $0xD0000000  }
0x3: {  	_ = 	snop  }
0x4: {  	_ = 	snop  }
0x5: {  	_ = 	snop  }
0x6: {  	_ = 	snop  }
0x7: {  	_ = 	snop  }
__scs_overlays_trampoline_lowered:
0x8: {  	[smem:$0x3F9D] =	sst s0  }
0x9: {  	[smem:$0x3F9E] =	sst s1  }
0xa: {  	[smem:$0x3F9F] =	sst s2  }
0xb: {  	[smem:$0x3FA0] =	sst s3  }
0xc: {  	[smem:$0x3FA1] =	sst s4  }
0xd: {  	[smem:$0x3FA2] =	sst s5  }
0xe: {  	[smem:$0x3FA3] =	sst s6  }
0xf: {  	[smem:$0x3FA4] =	sst s7  }
0x10: {  	[smem:$0x3FA5] =	sst s8  }
0x11: {  	[smem:$0x3FA6] =	sst s9;
	s0 =	simm.s32 @!p0 $0x0  }
0x12: {  	s1 =	sld [smem:$0x3F8C];
	s0 =	simm.s32 @p0 $0x1  }
0x13: {  	[smem:$0x3FA7] =	sst s0;
	s0 =	simm.s32 @!p1 $0x0  }
0x14: {  	s2 =	sld [smem:$0x3F8B];
	s0 =	simm.s32 @p1 $0x1  }
0x15: {  	[smem:$0x3FA8] =	sst s0;
	s0 =	simm.s32 @!p2 $0x0  }
0x16: {  	s3 =	sld [smem:$0x3FDB];
	s0 =	simm.s32 @p2 $0x1  }
0x17: {  	s4 =	simm.s32 $0x1BF5;
	[smem:$0x3FAA] =	sst s0  }
0x18: {  	s0 =	sld [smem:$0x3F8D];
	_ =	swait.ge [sflag:s4], $0x0  }
0x19: {  	s7 =	sld [smem:$0x3F8E]  }
0x1a: {  	s8 =	sadd.s32 $0xFFFFE003, lr  }
0x1b: {  	s9 =	sadd.s32 $0xFFFFFEF7, lr;
	s5 =	simm.s32 $0xFFFFFFFF;
	p2 =	slt.u32 s8, $0xFFFFF086  }
0x1c: {  	p1 =	slt.u32 s9, $0xF7A;
	s5 =	simm.s32 @!p2 $0x0  }
0x1d: {  	s5 =	simm.s32 @p1 $0x1;
	p0 =	seq.s32 s7, s2  }
0x1e: {  	s7 =	smul.u32 @!p0 $0xF7A, s2;
	p2 =	seq.s32 @!p0 s5, $0x0  }
0x1f: {  	s9 =	smul.u32 $0xF7A, s1;
	s8 =	simm.s32 @!p0 $0x1BF5;
	p2 =	por !p2, p0  }
0x20: {  	[sflag:s8] =	ssyncset.s32 @!p0 $0xFFFFF086;
	s6 =	sadd.s32 @!p0 s3, s7;
	s7 =	simm.s32 @!p0 $0x108  }
0x21: {  	s3 =	sadd.s32 s3, s9;
	s6 =	sadd.s32 @!p0 $0x88, s6;
	s7 =	simm.s32 @p2 $0x1082  }
0x22: {  	[simem:s7], [sflag:s8] =	dma.local @!p0 [hbm:s6], $0xF7A  }
0x23: {  	s9 =	sor.u32 $0xD0000000, s2;
	s6 =	simm.s32 $0x108;
	_ =	swait.ge @!p0 [sflag:s8], $0x0  }
0x24: {  	s3 =	sadd.s32 $0x88, s3;
	s6 =	simm.s32 @!p1 $0x1082;
	[sflag:s4] =	ssyncset.s32 $0xFFFFF086  }
0x25: {  	[simem:s6], [sflag:s4] =	dma.local [hbm:s3], $0xF7A  }
0x26: {  	[smem:$0x3F8E] =	sst s1;
	(tag) =	ssettag s2;
	_ =	strace s9  }
0x27: {  	s1 =	sld [smem:$0x3F9E]  }
0x28: {  	s2 =	sld [smem:$0x3F9F]  }
0x29: {  	s4 =	sld [smem:$0x3FA1]  }
0x2a: {  	p0 =	seq.s32 s5, $0x0;
	s5 =	sld [smem:$0x3FA2]  }
0x2b: {  	s6 =	sld [smem:$0x3FA3]  }
0x2c: {  	s7 =	sld [smem:$0x3FA4]  }
0x2d: {  	s3 =	simm.s32 $0x108;
	s8 =	sld [smem:$0x3FA5]  }
0x2e: {  	s3 =	simm.s32 @!p0 $0x1082;
	s9 =	sld [smem:$0x3FA6]  }
0x2f: {  	lr =	sadd.s32 s0, s3;
	s0 =	sld [smem:$0x3F9D]  }
0x30: {  	s3 =	sld [smem:$0x3FA0]  }
0x31: {  	[smem:$0x3FA9] =	sst s10  }
0x32: {  	s10 =	sld [smem:$0x3FA7];
	_ =	sdelay $0x3  }
0x33: {  	p0 =	seq.s32 s10, $0x1;
	s10 =	sld [smem:$0x3FA9];
	_ =	sdelay $0x3  }
0x34: {  	[smem:$0x3FA9] =	sst s10  }
0x35: {  	s10 =	sld [smem:$0x3FA8];
	_ =	sdelay $0x3  }
0x36: {  	p1 =	seq.s32 s10, $0x1;
	s10 =	sld [smem:$0x3FA9];
	_ =	sdelay $0x3  }
0x37: {  	[smem:$0x3FA9] =	sst s10  }
0x38: {  	s10 =	sld [smem:$0x3FAA]  }
0x39: {  	_ = 	snop;
	(pc) =	sbr.ind lr, $3  }
0x3a: {  	_ = 	snop  }
0x3b: {  	_ = 	snop  }
0x3c: {  	p2 =	seq.s32 s10, $0x1;
	s10 =	sld [smem:$0x3FA9]  }
0x3d: {  	_ =	shalt  }
0x3e: {  	_ =	shalt  }
0x3f: {  	_ =	shalt  }
0x40: {  	_ =	shalt  }
0x41: {  	_ =	shalt  }
0x42: {  	_ =	shalt  }
0x43: {  	_ =	shalt  }
0x44: {  	_ =	shalt  }
0x45: {  	_ =	shalt  }
0x46: {  	_ =	shalt  }
0x47: {  	_ =	shalt  }
0x48: {  	_ =	shalt  }
0x49: {  	_ =	shalt  }
0x4a: {  	_ =	shalt  }
0x4b: {  	_ =	shalt  }
0x4c: {  	_ =	shalt  }
0x4d: {  	_ =	shalt  }
0x4e: {  	_ =	shalt  }
0x4f: {  	_ =	shalt  }
0x50: {  	_ =	shalt  }
0x51: {  	_ =	shalt  }
0x52: {  	_ =	shalt  }
0x53: {  	_ =	shalt  }
0x54: {  	_ =	shalt  }
0x55: {  	_ =	shalt  }
0x56: {  	_ =	shalt  }
0x57: {  	_ =	shalt  }
0x58: {  	_ =	shalt  }
0x59: {  	_ =	shalt  }
0x5a: {  	_ =	shalt  }
0x5b: {  	_ =	shalt  }
0x5c: {  	_ =	shalt  }
0x5d: {  	_ =	shalt  }
0x5e: {  	_ =	shalt  }
0x5f: {  	_ =	shalt  }
0x60: {  	_ =	shalt  }
0x61: {  	_ =	shalt  }
0x62: {  	_ =	shalt  }
0x63: {  	_ =	shalt  }
0x64: {  	_ =	shalt  }
0x65: {  	_ =	shalt  }
0x66: {  	_ =	shalt  }
0x67: {  	_ =	shalt  }
0x68: {  	_ =	shalt  }
0x69: {  	_ =	shalt  }
0x6a: {  	_ =	shalt  }
0x6b: {  	_ =	shalt  }
0x6c: {  	_ =	shalt  }
0x6d: {  	_ =	shalt  }
0x6e: {  	_ =	shalt  }
0x6f: {  	_ =	shalt  }
0x70: {  	_ =	shalt  }
0x71: {  	_ =	shalt  }
0x72: {  	_ =	shalt  }
0x73: {  	_ =	shalt  }
0x74: {  	_ =	shalt  }
0x75: {  	_ =	shalt  }
0x76: {  	_ =	shalt  }
0x77: {  	_ =	shalt  }
0x78: {  	_ =	shalt  }
0x79: {  	_ =	shalt  }
0x7a: {  	_ =	shalt  }
0x7b: {  	_ =	shalt  }
0x7c: {  	_ =	shalt  }
0x7d: {  	_ =	shalt  }
0x7e: {  	_ =	shalt  }
0x7f: {  	_ =	shalt  }
0x80: {  	_ =	shalt  }
0x81: {  	_ =	shalt  }
0x82: {  	_ =	shalt  }
0x83: {  	_ =	shalt  }
0x84: {  	_ =	shalt  }
0x85: {  	_ =	shalt  }
0x86: {  	_ =	shalt  }
0x87: {  	_ =	shalt  }
.Lfunc_end0:
.L_simem_size_0:
called_computation_lowered:
.L_overlay_start_0:
0x88: {  	s2 =	sld [smem:$0x3FD9]  }
0x89: {  	s3 =	sld [smem:$0x3FFE];
	_ =	sdelay $0x1  }
0x8a: {  	s1 =	srdreg.scid  }
0x8b: {  	s0 =	sand.u32 $0x1, s1  }
0x8c: {  	s14 =	sshll.u32 s0, $0xA;
	s2 =	sadd.s32 s3, s2  }
0x8d: {  	s2 =	sadd.s32 s2, s14  }
0x8e: {  	[smem:$0x3FB5] =	sst s2  }
0x8f: {  	_ = 	snop  }
0x90: {  	s2 =	sld [smem:$0x3FD0];
	_ =	sdelay $0x2  }
0x91: {  	s15 =	simm.s32 $0xA;
	s4 =	simm.s32 $0x10  }
0x92: {  	[smem:s4], [sflag:s15] =	dma.local [hbm:s2], $0x1  }
0x93: {  	_ =	swait.eq [sflag:s15], $0x1  }
0x94: {  	s16 =	sld [smem:$0x11]  }
0x95: {  	s17 =	sld [smem:$0x12];
	[sflag:s15] =	ssyncset.done $0x0  }
0x96: {  	s5 =	sld [smem:$0x13];
	[sflag:s15] =	ssyncadd.s32 $0xFFFFFFFF  }
0x97: {  	s18 =	sld [smem:$0x14];
	(tm) =	ssettm $0x1  }
0x98: {  	s6 =	sld [smem:$0x3FFB];
	_ =	sdelay $0x3  }
0x99: {  	_ =	strace s6  }
0x9a: {  	s6 =	sld [smem:$0x3FFC];
	_ =	sdelay $0x3  }
0x9b: {  	_ =	strace s6  }
0x9c: {  	s6 =	sld [smem:$0x3FFD];
	_ =	sdelay $0x3  }
0x9d: {  	_ =	strace s6  }
0x9e: {  	_ =	strace $0x8FFFFFFF  }
0x9f: {  	s19 =	sld [smem:$0x3FDB];
	_ =	sdelay $0x1  }
0xa0: {  	s7 =	simm.s32 $_scs_section_size  }
0xa1: {  	s8 =	simm.s32 $_size__tile_overlayer_lowered;
	s9 =	simm.s32 $_tile_overlayer_lowered  }
0xa2: {  	s22 =	simm.s32 $0x1BFF;
	s21 =	sshll.u32 s9, $0x1;
	s6 =	sadd.s32 s7, s19  }
0xa3: {  	s10 =	simm.s32 $0x0;
	s20 =	sshll.u32 s8, $0x1;
	s8 =	sadd.s32 s21, s6  }
0xa4: {  	[timem:s10], [sflag:s22] =	dma.local [hbm:s8], s20  }
0xa5: {  	_ =	swait.ge [sflag:s22], s20  }
0xa6: {  	s7 =	ssub.s32 $0x0, s20;
	[sflag:s22] =	ssyncset.done $0x0  }
0xa7: {  	[sflag:s22] =	ssyncadd.s32 s7;
	_ =	sdelay $0x1  }
0xa8: {  	s23 =	simm.s32 $0x1B8B  }
0xa9: {  	_ =	swait.ge [sflag:s23], $0x1  }
0xaa: {  	[sflag:s23] =	ssyncset.done $0x0  }
0xab: {  	s25 =	simm.s32 $0x1B8E;
	s24 =	sld [smem:$0x3FFE];
	[sflag:s23] =	ssyncadd.s32 $0xFFFFFFFF  }
0xac: {  	s26 =	simm.s32 $execute0_lowered;
	[smem:$0x3FD2] =	sst s25  }
0xad: {  	s8 =	sshll.u32 s26, $0x1;
	_ =	strace $0x80000046;
	[dreg:$0x1] =	wrdreg $0xFFFFFFFF  }
0xae: {  	s28 =	simm.s32 $_size_execute0_lowered;
	s6 =	sadd.s32 s6, s8;
	[dreg:$0x0] =	wrdreg $0x0  }
0xaf: {  	s8 =	sshll.u32 s28, $0x1;
	[dreg:$0x2] =	wrdreg s6  }
0xb0: {  	[dreg:$0x3] =	wrdreg s8  }
0xb1: {  	[dreg:$0x4] =	wrdreg $0xC0  }
0xb2: {  	_ =	task [dreg:s10], $0x5FFFF  }
0xb3: {  	[dreg:$0x1] =	wrdreg $0xFFFFFFFF  }
0xb4: {  	[dreg:$0x0] =	wrdreg $0x60  }
0xb5: {  	[dreg:$0x2] =	wrdreg s24  }
0xb6: {  	[dreg:$0x3] =	wrdreg s18  }
0xb7: {  	[dreg:$0x4] =	wrdreg s17  }
0xb8: {  	[dreg:$0x5] =	wrdreg s5  }
0xb9: {  	[dreg:$0x6] =	wrdreg s16  }
0xba: {  	[dreg:$0x7] =	wrdreg $0x9  }
0xbb: {  	_ =	task.clear_ibuf [dreg:s10], $0x8FFFF;
	_ =	strace $0x90000046  }
0xbc: {  	s29 =	simm.s32 $0x9;
	_ =	strace $0x80000048  }
0xbd: {  	_ =	swait.ge [sflag:s29], $0x1  }
0xbe: {  	[sflag:s29] =	ssyncadd.s32 $0xFFFFFFFF  }
0xbf: {  	_ =	strace $0x90000048  }
0xc0: {  	_ =	sfence  }
0xc1: {  	s30 =	sld [smem:$0x0];
	_ =	sdelay $0x2  }
0xc2: {  	s31 =	sshll.u32 s1, $0xD;
	s1 =	sshrl.u32 s1, $0x2  }
0xc3: {  	s3 =	sand.u32 $0x4000, s31;
	s1 =	sadd.s32 s1, s30  }
0xc4: {  	s0 =	sor.u32 s3, s0;
	s1 =	sshll.u32 s1, $0x11  }
0xc5: {  	s0 =	sor.u32 s1, s0  }
0xc6: {  	s0 =	sadd.s32 $0x8F2B, s0  }
0xc7: {  	[sflag:s0] =	ssyncadd.remote.s32 $0x1  }
0xc8: {  	_ =	sfence.sel $0xFFFF  }
0xc9: {  	[dreg:$0x0] =	wrdreg $0xFFFFFFFF;
	(pc) =	sbr.abs _section_cstart, $3  }
0xca: {  	[dreg:$0x1] =	wrdreg $0xFFFFFFFF  }
0xcb: {  	_ =	task.clear_ibuf [dreg:s10], $0x2FFFF;
	_ =	strace $0x9FFFFFFF  }
0xcc: {  	(tm) =	ssettm $0x7FFFFFFF  }
0xcd: {  	_ =	shalt  }
tec
execute0_lowered:
.L_overlay_start_1:
0x0: {  	(tag) =	ssettag $0x1  }
0x1: {  	s3 =	rddreg [dreg:$0x0]  }
0x2: {  	s5 =	rddreg [dreg:$0x1]  }
0x3: {  	s6 =	rddreg [dreg:$0x2];
	s1 =	srdreg.scid  }
0x4: {  	s0 =	stileid.u32;
	s7 =	rddreg [dreg:$0x3]  }
0x5: {  	s9 =	rddreg [dreg:$0x4];
	s2 =	simm.s32 $0x0;
	s12 =	simm.s32 $0x1  }
0x6: {  	s13 =	simm.s32 $0xC350;
	s14 =	simm.s32 $0xEA60;
	s15 =	simm.s32 $0x11170  }
0x7: {  	s16 =	simm.s32 $0x13880;
	s4 =	sand.u32 $0x1, s1;
	s30 =	sshll.u32 s0, $0x1  }
0x8: {  	s17 =	simm.s32 $0x15F90;
	s18 =	simm.s32 $0x0;
	s8 =	sor.u32 s4, s30  }
0x9: {  	s1 =	rddreg [dreg:$0x5];
	s4 =	ssub.s32 $0x2, s4;
	s8 =	smul.u32 $0x2710, s8  }
0xa: {  	[smem:$0x7FF] =	sst s2;
	s3 =	sadd.s32 $0x3600, s3;
	s10 =	sshrl.u32 s4, $0x1  }
0xb: {  	_ =	strace $0x80000047;
	s11 =	ssub.s32 s4, s10;
	s8 =	sshrl.u32 s8, $0x3  }
0xc: {  	s11 =	smax.u32 s11, $0x1;
	s31 =	sadd.s32 $0x9C40, s8;
	s4 =	sadd.s32 s5, s8  }
0xd: {  	s6 =	sadd.s32 s6, s8;
	s7 =	sadd.s32 s7, s8;
	s8 =	sadd.s32 s9, s8  }
0xe: {  	s5 =	sadd.s32 s5, s31;
	s9 =	sadd.s32 s9, s31;
	s10 =	sadd.s32 $0x13880, s8  }
.LBB2_1:
0xf: {  	[tilespmem:s2], [sflag:$0x1] =	stream.linear.gather [hbm4b:s3+s2], $0x7530, $0x38;
	[tilespmem:$0x186A0] =	vst v63  }
0x10: {  	_ =	swait.ge [sflag:s12], $0x7530  }
0x11: {  	[sflag:s12] =	ssyncset.done $0x0  }
0x12: {  	s19 =	simm.s32 $0x7530;
	[sflag:s12] =	ssyncadd.s32 $0xFFFF8AD0  }
0x13: {  	[tilespmem:s19], [sflag:$0x1] =	stream.linear.gather [hbm4b:s4+s2], $0x2710, $0x38;
	[tilespmem:$0x186A0] =	vst v63  }
0x14: {  	_ =	swait.ge [sflag:s12], $0x2710  }
0x15: {  	[sflag:s12] =	ssyncset.done $0x0  }
0x16: {  	s20 =	simm.s32 $0x9C40;
	[sflag:s12] =	ssyncadd.s32 $0xFFFFD8F0  }
0x17: {  	[tilespmem:s20], [sflag:$0x1] =	stream.linear.gather [hbm4b:s5+s2], $0x2710, $0x38;
	[tilespmem:$0x186A0] =	vst v63  }
0x18: {  	_ =	swait.ge [sflag:s12], $0x2710  }
0x19: {  	[sflag:s12] =	ssyncset.done $0x0  }
0x1a: {  	[sflag:s12] =	ssyncadd.s32 $0xFFFFD8F0  }
0x1b: {  	v0 =	vld [tilespmem:s20+$0x0]  }
0x1c: {  	v1 =	vld [tilespmem:s19+$0x0];
	_ =	sdelay $0x4  }
0x1d: {  	v2 =	vadd.s32 $0x2710, v1  }
0x1e: {  	s20 =	simm.s32 $0x9C50  }
0x1f: {  	v5 =	vld [tilespmem:s20+$0x0];
	v3 =	vadd.s32 $0x2710, v0  }
0x20: {  	v6 =	vadd.s32 $0x4E20, v1;
	v4 =	vld.idx.msk [tilespmem:v0+s2+$0x0], $0xffff  }
0x21: {  	v0 =	vadd.s32 $0x4E20, v0;
	v9 =	vld.idx.msk [tilespmem:v1+s2+$0x0], $0xffff  }
0x22: {  	s21 =	simm.s32 $0x7540;
	v7 =	vld.idx.msk [tilespmem:v2+s2+$0x0], $0xffff  }
0x23: {  	v2 =	vld [tilespmem:s21+$0x0]  }
0x24: {  	v8 =	vld.idx.msk [tilespmem:v3+s2+$0x0], $0xffff  }
0x25: {  	v6 =	vld.idx.msk [tilespmem:v6+s2+$0x0], $0xffff  }
0x26: {  	v10 =	vld.idx.msk [tilespmem:v0+s2+$0x0], $0xffff  }
0x27: {  	v1 =	vadd.s32 $0x2710, v5  }
0x28: {  	v0 =	vadd.s32 $0x2710, v2  }
0x29: {  	s22 =	simm.s32 $0x9C60;
	v11 =	vadd.s32 $0x4E20, v5;
	v19 =	vsub.f32 v4, v9;
	v20 =	vsub.f32 v8, v7  }
0x2a: {  	v13 =	vld [tilespmem:s22+$0x0]  }
0x2b: {  	v5 =	vld.idx.msk [tilespmem:v5+s2+$0x0], $0xffff;
	v14 =	vmul.f32 v19, v19;
	v12 =	vmul.f32 v20, v20;
	v3 =	vsub.f32 v10, v6  }
0x2c: {  	v17 =	vld.idx.msk [tilespmem:v1+s2+$0x0], $0xffff;
	v15 =	vadd.s32 $0x4E20, v2  }
0x2d: {  	v16 =	vld.idx.msk [tilespmem:v0+s2+$0x0], $0xffff;
	v0 =	vadd.f32 v12, v14;
	v1 =	vmul.f32 v3, v3  }
0x2e: {  	v11 =	vld.idx.msk [tilespmem:v11+s2+$0x0], $0xffff  }
0x2f: {  	s23 =	simm.s32 $0x7550;
	v12 =	vld.idx.msk [tilespmem:v2+s2+$0x0], $0xffff;
	v0 =	vadd.f32 v1, v0  }
0x30: {  	v14 =	vld [tilespmem:s23+$0x0]  }
0x31: {  	v15 =	vld.idx.msk [tilespmem:v15+s2+$0x0], $0xffff;
	v18 =	vmax.f32 v0, $9.999999970e-07  }
0x32: {  	v1 =	vshra.s32 v18, $0x1;
	v21 =	vmul.f32 $5.000000000e-01, v18  }
0x33: {  	v0 =	vsub.f32 v17, v16;
	v22 =	vsub.s32 $0x5F3759DF, v1  }
0x34: {  	v24 =	vadd.s32 $0x2710, v13;
	v1 =	vsub.f32 v5, v12;
	v2 =	vmul.f32 v22, v21  }
0x35: {  	s24 =	simm.s32 $0x7560;
	v28 =	vadd.s32 $0x4E20, v13;
	v23 =	vadd.s32 $0x2710, v14;
	v25 =	vmul.f32 v0, v0  }
0x36: {  	v29 =	vld [tilespmem:s24+$0x0];
	v26 =	vmul.f32 v1, v1;
	v27 =	vmul.f32 v22, v2;
	v2 =	vsub.f32 v11, v15  }
0x37: {  	s25 =	simm.s32 $0x9C70;
	v13 =	vld.idx.msk [tilespmem:v13+s2+$0x0], $0xffff;
	v4 =	vmul.f32 v4, v9;
	v7 =	vmul.f32 v8, v7;
	v8 =	vadd.s32 $0x4E20, v14  }
0x38: {  	v9 =	vld [tilespmem:s25+$0x0];
	v25 =	vadd.f32 v25, v26;
	v26 =	vsub.f32 $1.500000000e+00, v27;
	v27 =	vmul.f32 v2, v2  }
0x39: {  	v6 =	vmul.f32 v10, v6;
	v10 =	vld.idx.msk [tilespmem:v24+s2+$0x0], $0xffff  }
0x3a: {  	v4 =	vadd.f32 v7, v4;
	v7 =	vmul.f32 v17, v16;
	v17 =	vld.idx.msk [tilespmem:v28+s2+$0x0], $0xffff;
	v25 =	vadd.f32 v27, v25  }
0x3b: {  	v23 =	vld.idx.msk [tilespmem:v23+s2+$0x0], $0xffff;
	v22 =	vmul.f32 v22, v26  }
0x3c: {  	v33 =	vadd.s32 $0x4E20, v29;
	v5 =	vmul.f32 v5, v12;
	v12 =	vld.idx.msk [tilespmem:v14+s2+$0x0], $0xffff;
	v16 =	vmax.f32 v25, $9.999999970e-07  }
0x3d: {  	v8 =	vld.idx.msk [tilespmem:v8+s2+$0x0], $0xffff;
	v14 =	vmul.f32 v22, v21;
	v24 =	vshra.s32 v16, $0x1;
	v25 =	vmul.f32 $5.000000000e-01, v16  }
0x3e: {  	v7 =	vadd.f32 v7, v5;
	v11 =	vmul.f32 v11, v15;
	v24 =	vsub.s32 $0x5F3759DF, v24  }
0x3f: {  	s28 =	simm.s32 $0x7570;
	v26 =	vadd.s32 $0x2710, v9;
	v14 =	vmul.f32 v14, v22;
	v5 =	vmul.f32 v24, v25  }
0x40: {  	s26 =	simm.s32 $0x9C80;
	v32 =	vld [tilespmem:s28+$0x0];
	v27 =	vadd.f32 v6, v4;
	v21 =	vadd.s32 $0x2710, v29;
	v4 =	vsub.f32 v10, v23  }
0x41: {  	v15 =	vld [tilespmem:s26+$0x0];
	v6 =	vsub.f32 v13, v12;
	v14 =	vsub.f32 $1.500000000e+00, v14;
	v30 =	vmul.f32 v24, v5  }
0x42: {  	v28 =	vadd.s32 $0x4E20, v9;
	v31 =	vmul.f32 v4, v4;
	v5 =	vsub.f32 v17, v8  }
0x43: {  	v14 =	vmul.f32 v14, v22;
	v22 =	vmul.f32 v6, v6;
	v30 =	vsub.f32 $1.500000000e+00, v30  }
0x44: {  	v34 =	vadd.f32 v11, v7;
	v10 =	vmul.f32 v10, v23;
	v26 =	vld.idx.msk [tilespmem:v26+s2+$0x0], $0xffff;
	v11 =	vmul.f32 v5, v5  }
0x45: {  	v21 =	vld.idx.msk [tilespmem:v21+s2+$0x0], $0xffff;
	v23 =	vmul.f32 v14, v18;
	v7 =	vadd.f32 v31, v22;
	v18 =	vmul.f32 v24, v30  }
0x46: {  	v24 =	vld.idx.msk [tilespmem:v9+s2+$0x0], $0xffff;
	v9 =	vmul.f32 v13, v12;
	v13 =	vadd.s32 $0x2710, v32;
	v30 =	vadd.s32 $0x2710, v15  }
0x47: {  	v29 =	vld.idx.msk [tilespmem:v29+s2+$0x0], $0xffff;
	v12 =	vadd.f32 $1.000000000e+00, v23;
	v11 =	vadd.f32 v11, v7;
	v22 =	vmul.f32 v18, v25  }
0x48: {  	v36 =	vadd.s32 $0x4E20, v32;
	v8 =	vmul.f32 v17, v8;
	v17 =	vld.idx.msk [tilespmem:v33+s2+$0x0], $0xffff;
	v10 =	vadd.f32 v10, v9  }
0x49: {  	s29 =	simm.s32 $0x9C90;
	v25 =	vld.idx.msk [tilespmem:v28+s2+$0x0], $0xffff;
	(erf) = vrcp.f32 v12;
	v14 =	vmax.f32 v11, $9.999999970e-07;
	v9 =	vmul.f32 v22, v18  }
0x4a: {  	v7 =	vsub.f32 v26, v21;
	v22 =	vld [tilespmem:s29+$0x0];
	v12 =	vshra.s32 v14, $0x1;
	v35 =	vmul.f32 $5.000000000e-01, v14  }
0x4b: {  	v21 =	vmul.f32 v26, v21;
	v11 =	vld.idx.msk [tilespmem:v13+s2+$0x0], $0xffff;
	v63 =	vsub.s32 $0x5F3759DF, v12;
	v12 =	vsub.f32 $1.500000000e+00, v9  }
0x4c: {  	s30 =	simm.s32 $0x7580;
	v31 =	vmul.f32 v7, v7;
	v13 =	vld.idx.msk [tilespmem:v30+s2+$0x0], $0xffff;
	v9 =	vsub.f32 v24, v29;
	v26 =	vmul.f32 v63, v35  }
0x4d: {  	v28 =	vadd.s32 $0x4E20, v15;
	v29 =	vmul.f32 v24, v29;
	v24 =	vld [tilespmem:s30+$0x0];
	v30 =	vmul.f32 v12, v18  }
0x4e: {  	v12 =	vadd.f32 v8, v10;
	v8 =	vmul.f32 v9, v9;
	v26 =	vmul.f32 v63, v26  }
0x4f: {  	[tilespmem:s13+$0x0] =	vst v23;
	v18 =	vadd.f32 v21, v29;
	v10 =	vsub.f32 v25, v17;
	v17 =	vmul.f32 v25, v17  }
0x50: {  	[tilespmem:s14+$0x0] =	vst v27;
	v29 =	vadd.s32 $0x2710, v22;
	v21 =	vmul.f32 v30, v16;
	v23 =	vsub.f32 $1.500000000e+00, v26  }
0x51: {  	s31 =	simm.s32 $0xC360;
	v37 =	vadd.f32 v31, v8;
	v16 =	vld.idx.msk [tilespmem:v15+s2+$0x0], $0xffff;
	v8 =	vsub.f32 v13, v11;
	v38 =	vmul.f32 v10, v10  }
0x52: {  	s24 =	simm.s32 $0x50;
	s19 =	simm.s32 $0x15FA0;
	v15 =	vld.idx.msk [tilespmem:v28+s2+$0x0], $0xffff;
	v31 =	vadd.s32 $0x2710, v24;
	v26 =	vadd.f32 $1.000000000e+00, v21;
	[tilespmem:s31+$0x0] =	vst v21;
	v25 =	vpop (erf);
	v23 =	vmul.f32 v63, v23  }
0x53: {  	s22 =	simm.s32 $0x15FA0;
	s20 =	simm.s32 $0xEA70;
	s21 =	simm.s32 $0xC370;
	v21 =	vld.idx.msk [tilespmem:v32+s2+$0x0], $0xffff;
	v27 =	vmul.f32 v8, v8;
	v33 =	vadd.f32 v38, v37;
	v28 =	vmul.f32 v25, v19  }
0x54: {  	s25 =	simm.s32 $0x9CA0;
	s23 =	simm.s32 $0x15F90;
	s26 =	simm.s32 $0x7590;
	v30 =	vadd.s32 $0x4E20, v22;
	[tilespmem:s20+$0x0] =	vst v34;
	v19 =	vld.idx.msk [tilespmem:v36+s2+$0x0], $0xffff;
	v20 =	vmul.f32 v25, v20;
	v32 =	vmul.f32 v23, v35  }
.LBB2_2:
0x55: {  	s24 =	sadd.s32 $0x10, s24;
	v34 =	vadd.s32 $0x4E20, v24;
	v35 =	vld.idx.msk [tilespmem:v22+s2+$0x0], $0xffff;
	s19 =	sadd.s32 $0x10, s19;
	s20 =	sadd.s32 $0x10, s20;
	(erf) = vrcp.f32 v26;
	[tilespmem:s23+$0xFFFFB1E0] =	vst v28;
	v38 =	vmul.f32 v25, v3;
	v36 =	vmovc v6  }
0x56: {  	v25 =	vmul.f32 v13, v11;
	v6 =	vmovc v9;
	v22 =	vld [tilespmem:s25+$0x0];
	p0 =	slt.u32 s24, $0x2700;
	v26 =	vmax.f32 v33, $9.999999970e-07;
	v28 =	vmul.f32 v32, v23;
	[tilespmem:s23+$0xFFFFD8F0] =	vst v20  }
0x57: {  	v20 =	vadd.f32 v17, v18;
	v33 =	vmovc v24;
	v11 =	vld.idx.msk [tilespmem:v31+s2+$0x0], $0xffff;
	v9 =	vshra.s32 v26, $0x1;
	v32 =	vmul.f32 $5.000000000e-01, v26;
	[tilespmem:s23+$0x0] =	vst v38;
	s23 =	smov.u32 s22;
	s22 =	smov.u32 s19  }
0x58: {  	v3 =	vmovc v2;
	v2 =	vmovc v5;
	v5 =	vmov v10;
	v13 =	vld.idx.msk [tilespmem:v29+s2+$0x0], $0xffff;
	v37 =	vsub.s32 $0x5F3759DF, v9;
	v18 =	vsub.f32 $1.500000000e+00, v28  }
0x59: {  	v9 =	vsub.f32 v16, v21;
	v10 =	vmul.f32 v16, v21;
	v28 =	vld.idx.msk [tilespmem:v30+s2+$0x0], $0xffff;
	v29 =	vmul.f32 v37, v32  }
0x5a: {  	v17 =	vmul.f32 v15, v19;
	v38 =	vmovc v0;
	v0 =	vmovc v4;
	v4 =	vmov v7;
	v24 =	vld [tilespmem:s26+$0x0];
	v21 =	vmul.f32 v18, v23  }
0x5b: {  	v18 =	vadd.f32 v25, v10;
	v23 =	vmul.f32 v9, v9;
	v16 =	vmovc v35;
	v29 =	vmul.f32 v37, v29  }
0x5c: {  	v7 =	vmovc v8;
	v10 =	vsub.f32 v15, v19;
	v21 =	vmul.f32 v21, v14;
	v14 =	vmov v26  }
.Ltmp0:
0x5d: {  	v35 =	vadd.f32 v27, v23;
	v19 =	vsub.f32 $1.500000000e+00, v29;
	(pc) =	sbr.rel @p0 .LBB2_2-.Ltmp0, $4  }
0x5e: {  	v39 =	vmul.f32 v10, v10;
	v8 =	vsub.f32 v13, v11;
	v26 =	vadd.f32 $1.000000000e+00, v21;
	[tilespmem:s21+$0x0] =	vst v21;
	v25 =	vpop (erf)  }
0x5f: {  	v29 =	vadd.s32 $0x2710, v22;
	v15 =	vmovc v28;
	v31 =	vadd.s32 $0x2710, v24;
	v23 =	vmul.f32 v37, v19;
	[tilespmem:s20+$0x0] =	vst v12;
	v12 =	vmovc v20  }
0x60: {  	v30 =	vadd.s32 $0x4E20, v22;
	v27 =	vmul.f32 v8, v8;
	v28 =	vmul.f32 v25, v1;
	v1 =	vmovc v36;
	v21 =	vld.idx.msk [tilespmem:v33+s2+$0x0], $0xffff  }
0x61: {  	s25 =	sadd.s32 $0x10, s25;
	s26 =	sadd.s32 $0x10, s26;
	s21 =	sadd.s32 $0x10, s21;
	v20 =	vmul.f32 v25, v38;
	v33 =	vadd.f32 v39, v35;
	v19 =	vld.idx.msk [tilespmem:v34+s2+$0x0], $0xffff;
	v32 =	vmul.f32 v23, v32  }
0x62: {  	_ =	sdelay $0x3  }
0x63: {  	v34 =	vadd.s32 $0x4E20, v24;
	v22 =	vld.idx.msk [tilespmem:v22+s2+$0x0], $0xffff  }
0x64: {  	v31 =	vld.idx.msk [tilespmem:v31+s2+$0x0], $0xffff  }
0x65: {  	v29 =	vld.idx.msk [tilespmem:v29+s2+$0x0], $0xffff  }
0x66: {  	v24 =	vld.idx.msk [tilespmem:v24+s2+$0x0], $0xffff  }
0x67: {  	v30 =	vld.idx.msk [tilespmem:v30+s2+$0x0], $0xffff  }
0x68: {  	v35 =	vsub.f32 v16, v21;
	v34 =	vld.idx.msk [tilespmem:v34+s2+$0x0], $0xffff  }
0x69: {  	v33 =	vmax.f32 v33, $9.999999970e-07  }
0x6a: {  	v36 =	vshra.s32 v33, $0x1;
	v38 =	vsub.f32 v15, v19;
	v37 =	vmul.f32 v35, v35  }
0x6b: {  	v39 =	vmul.f32 $5.000000000e-01, v33;
	v40 =	vsub.f32 v29, v31;
	v41 =	vsub.f32 v22, v24  }
0x6c: {  	v36 =	vsub.s32 $0x5F3759DF, v36;
	v57 =	vmul.f32 v38, v38;
	v27 =	vadd.f32 v27, v37  }
0x6d: {  	v42 =	vmul.f32 v40, v40;
	v43 =	vmul.f32 v41, v41;
	v44 =	vsub.f32 v30, v34  }
0x6e: {  	v45 =	vmul.f32 v36, v39;
	v27 =	vadd.f32 v57, v27  }
0x6f: {  	v58 =	vadd.f32 v42, v43;
	v59 =	vmul.f32 v44, v44  }
0x70: {  	v32 =	vmul.f32 v32, v23;
	v60 =	vmul.f32 v36, v45;
	v27 =	vmax.f32 v27, $9.999999970e-07  }
0x71: {  	v61 =	vshra.s32 v27, $0x1;
	v46 =	vmul.f32 $5.000000000e-01, v27;
	v37 =	vadd.f32 v59, v58  }
0x72: {  	v62 =	vsub.f32 $1.500000000e+00, v60;
	v63 =	vsub.s32 $0x5F3759DF, v61  }
0x73: {  	v32 =	vsub.f32 $1.500000000e+00, v32;
	v45 =	vmul.f32 v63, v46;
	v37 =	vmax.f32 v37, $9.999999970e-07  }
0x74: {  	v36 =	vmul.f32 v36, v62;
	v49 =	vshra.s32 v37, $0x1;
	v47 =	vmul.f32 $5.000000000e-01, v37  }
0x75: {  	v50 =	vmul.f32 v32, v23;
	v45 =	vmul.f32 v63, v45;
	v42 =	vsub.s32 $0x5F3759DF, v49  }
0x76: {  	v39 =	vmul.f32 v36, v39;
	v48 =	vmul.f32 v42, v47  }
0x77: {  	(erf) = vrcp.f32 v26;
	v14 =	vmul.f32 v50, v14;
	v51 =	vsub.f32 $1.500000000e+00, v45  }
0x78: {  	v52 =	vmul.f32 v39, v36;
	v53 =	vmul.f32 v42, v48  }
0x79: {  	v57 =	vadd.f32 $1.000000000e+00, v14;
	v54 =	vmul.f32 v63, v51  }
0x7a: {  	v55 =	vsub.f32 $1.500000000e+00, v52;
	v56 =	vsub.f32 $1.500000000e+00, v53  }
0x7b: {  	(erf) = vrcp.f32 v57;
	v43 =	vmul.f32 v54, v46  }
0x7c: {  	v26 =	vmul.f32 v55, v36;
	v32 =	vmul.f32 v42, v56  }
0x7d: {  	v58 =	vmul.f32 v43, v54  }
0x7e: {  	v26 =	vmul.f32 v26, v33;
	v59 =	vmul.f32 v32, v47  }
0x7f: {  	[tilespmem:s23+$0xFFFFB1E0] =	vst v28;
	v3 =	vmul.f32 v25, v3;
	v60 =	vsub.f32 $1.500000000e+00, v58  }
0x80: {  	[tilespmem:s23+$0xFFFFD8F0] =	vst v20;
	v61 =	vadd.f32 $1.000000000e+00, v26;
	v62 =	vmul.f32 v59, v32  }
0x81: {  	[tilespmem:s23+$0x0] =	vst v3;
	v25 =	vpop (erf);
	v63 =	vmul.f32 v60, v54  }
0x82: {  	s20 =	sadd.s32 $0x10, s20;
	[tilespmem:s21+$0x0] =	vst v14;
	v1 =	vmul.f32 v25, v1;
	(erf) = vrcp.f32 v61;
	v28 =	vsub.f32 $1.500000000e+00, v62  }
0x83: {  	[tilespmem:s20+$0x0] =	vst v12;
	v0 =	vmul.f32 v25, v0;
	v3 =	vmul.f32 v63, v27  }
0x84: {  	[tilespmem:s22+$0xFFFFB1E0] =	vst v1;
	v33 =	vmul.f32 v25, v2;
	v45 =	vpop (erf);
	v36 =	vmul.f32 v28, v32  }
0x85: {  	v11 =	vmul.f32 v13, v11;
	[tilespmem:s22+$0xFFFFD8F0] =	vst v0;
	v6 =	vmul.f32 v45, v6;
	v39 =	vadd.f32 $1.000000000e+00, v3  }
0x86: {  	s30 =	sadd.s32 $0x10, s21;
	v1 =	vmul.f32 v45, v5;
	[tilespmem:s22+$0x0] =	vst v33;
	v2 =	vmul.f32 v36, v37  }
0x87: {  	s19 =	sadd.s32 $0x10, s19;
	[tilespmem:s30+$0x0] =	vst v26;
	v43 =	vmul.f32 v16, v21;
	(erf) = vrcp.f32 v39  }
0x88: {  	v46 =	vmul.f32 v45, v4;
	[tilespmem:s19+$0xFFFFB1E0] =	vst v6;
	v47 =	vadd.f32 $1.000000000e+00, v2  }
0x89: {  	v48 =	vmul.f32 v15, v19;
	[tilespmem:s19+$0x0] =	vst v1;
	v42 =	vadd.f32 v17, v18;
	v11 =	vadd.f32 v11, v43  }
0x8a: {  	s20 =	sadd.s32 $0x10, s20;
	[tilespmem:s19+$0xFFFFD8F0] =	vst v46;
	(erf) = vrcp.f32 v47  }
0x8b: {  	v50 =	vmul.f32 v29, v31;
	s21 =	sadd.s32 $0x10, s30;
	[tilespmem:s20+$0x0] =	vst v42;
	v51 =	vadd.f32 v48, v11;
	v49 =	vpop (erf)  }
0x8c: {  	v52 =	vmul.f32 v22, v24;
	s20 =	sadd.s32 $0x10, s20;
	[tilespmem:s21+$0x0] =	vst v3;
	v53 =	vmul.f32 v49, v9  }
0x8d: {  	s19 =	sadd.s32 $0x10, s19;
	[tilespmem:s20+$0x0] =	vst v51;
	v54 =	vmul.f32 v49, v7  }
0x8e: {  	v55 =	vmul.f32 v30, v34;
	v1 =	vadd.f32 v50, v52;
	v0 =	vmul.f32 v49, v10;
	[tilespmem:s19+$0xFFFFB1E0] =	vst v53  }
0x8f: {  	[tilespmem:s19+$0xFFFFD8F0] =	vst v54  }
0x90: {  	v1 =	vadd.f32 v55, v1;
	s21 =	sadd.s32 $0x10, s21;
	[tilespmem:s19+$0x0] =	vst v0;
	v56 =	vpop (erf)  }
0x91: {  	s20 =	sadd.s32 $0x10, s20;
	[tilespmem:s21+$0x0] =	vst v2;
	v57 =	vmul.f32 v56, v35  }
0x92: {  	s19 =	sadd.s32 $0x10, s19;
	[tilespmem:s20+$0x0] =	vst v1;
	v58 =	vmul.f32 v56, v8  }
0x93: {  	v59 =	vmul.f32 v56, v38;
	[tilespmem:s19+$0xFFFFB1E0] =	vst v57;
	v60 =	vpop (erf)  }
0x94: {  	[tilespmem:s19+$0xFFFFD8F0] =	vst v58;
	v61 =	vmul.f32 v60, v41  }
0x95: {  	s31 =	sadd.s32 $0x10, s19;
	[tilespmem:s19+$0x0] =	vst v59;
	v62 =	vmul.f32 v60, v40  }
0x96: {  	v63 =	vmul.f32 v60, v44;
	[tilespmem:s31+$0xFFFFB1E0] =	vst v61  }
0x97: {  	[tilespmem:s31+$0xFFFFD8F0] =	vst v62  }
0x98: {  	[tilespmem:s31+$0x0] =	vst v63  }
0x99: {  	[hbm4b:s6+s2] =	stream.linear.scatter [tilespmem:s13], [sflag:$0x1], $0x2710, $0x38;
	[tilespmem:$0x186A0] =	vst v63  }
0x9a: {  	_ =	swait.ge [sflag:s12], $0x2710  }
0x9b: {  	[sflag:s12] =	ssyncset.done $0x0  }
0x9c: {  	[sflag:s12] =	ssyncadd.s32 $0xFFFFD8F0  }
0x9d: {  	[hbm4b:s7+s2] =	stream.linear.scatter [tilespmem:s14], [sflag:$0x1], $0x2710, $0x38;
	[tilespmem:$0x186A0] =	vst v63  }
0x9e: {  	_ =	swait.ge [sflag:s12], $0x2710  }
0x9f: {  	[sflag:s12] =	ssyncset.done $0x0  }
0xa0: {  	[sflag:s12] =	ssyncadd.s32 $0xFFFFD8F0  }
0xa1: {  	[hbm4b:s8+s2] =	stream.linear.scatter [tilespmem:s15], [sflag:$0x1], $0x2710, $0x38;
	[tilespmem:$0x186A0] =	vst v63  }
0xa2: {  	_ =	swait.ge [sflag:s12], $0x2710  }
0xa3: {  	[sflag:s12] =	ssyncset.done $0x0  }
0xa4: {  	[sflag:s12] =	ssyncadd.s32 $0xFFFFD8F0  }
0xa5: {  	[hbm4b:s9+s2] =	stream.linear.scatter [tilespmem:s16], [sflag:$0x1], $0x2710, $0x38;
	[tilespmem:$0x186A0] =	vst v63  }
0xa6: {  	s18 =	sadd.s32 $0x1, s18;
	_ =	swait.ge [sflag:s12], $0x2710  }
0xa7: {  	p0 =	sne.s32 s18, s11;
	[sflag:s12] =	ssyncset.done $0x0  }
.Ltmp1:
0xa8: {  	[sflag:s12] =	ssyncadd.s32 $0xFFFFD8F0;
	(pc) =	sbr.rel @p0 .LBB2_1-.Ltmp1, $4  }
0xa9: {  	[hbm4b:s10+s2] =	stream.linear.scatter [tilespmem:s17], [sflag:$0x1], $0x2710, $0x38;
	[tilespmem:$0x186A0] =	vst v63  }
0xaa: {  	_ =	swait.ge [sflag:s12], $0x2710  }
0xab: {  	[sflag:s12] =	ssyncset.done $0x0  }
0xac: {  	[sflag:s12] =	ssyncadd.s32 $0xFFFFD8F0  }
0xad: {  	_ =	sfence.sel $0x180000  }
0xae: {  	[bflag:$0x0] =	sbarrier.arrive $0xFFFF  }
0xaf: {  	p0 =	sne.s32 s0, $0x0;
	_ =	strace $0x90000047  }
0xb0: {  	s0 =	sadd.s32 @!p0 $0x100000, s1;
	[bflag:$0x2] =	sbarrier.arrive $0xFFFF  }
0xb1: {  	[sflag:s0] =	ssyncadd.tile.s32 @!p0 $0x1;
	_ =	shalt  }
.Lfunc_end2:
_tile_overlayer_lowered:
.L_overlay_start_2:
0xb2: {  	(tag) =	ssettag $0x2  }
0xb3: {  	s0 =	rddreg [dreg:$0x0];
	s2 =	stileid.u32  }
0xb4: {  	s1 =	rddreg [dreg:$0x1];
	p0 =	sne.s32 s2, $0x0  }
0xb5: {  	s3 =	rddreg [dreg:$0x2];
	[bflag:$0x3] =	sbarrier.arrive $0xFFFF;
	s2 =	simm.s32 @!p0 $0x1C01  }
0xb6: {  	[timem:s3], [sflag:s2] =	dma.local @!p0 [hbm:s0], s1  }
0xb7: {  	s0 =	simm.s32 @!p0 $0x1  }
0xb8: {  	_ =	swait.ge @!p0 [sflag:s0], s1  }
0xb9: {  	s1 =	ssub.s32 @!p0 $0x0, s1;
	[sflag:s0] =	ssyncset.done @!p0 $0x0  }
0xba: {  	[sflag:s0] =	ssyncadd.s32 @!p0 s1  }
0xbb: {  	[bflag:$0x3] =	sbarrier.arrive $0xFFFF  }
0xbc: {  	_ =	shalt  }

</sc_bundles>
